<compile_context>
chip_gen: v7x
topology: tpu7x:2x2x1
jax: 0.10.2.dev20260603
libtpu: 0.0.44.dev20260713+nightly
codegen_flags: <defaults>
</compile_context>

<pallas_src>
import jax
import jax.numpy as jnp
from jax import lax
from jax.experimental import pallas as pl
from jax.experimental.pallas import tpu as pltpu
from jax.experimental.pallas import tpu_sc as plsc

_NUM_ROIS = 16384
_DATA = 360
_L = 16
_NFULL = _DATA // _L
_TAIL_OFF = _DATA - _L
_NW = 32
_ROWS_PER_W = _NUM_ROIS // _NW
_RBLK = 32
_NBLK = _ROWS_PER_W // _RBLK
_NW24 = 24
_SUB = 8
_OUT_BYTES = _RBLK * _DATA * 4
_TCB = 256


def _tc_flags_body(y_ref, flags_ref):
    yb = y_ref[0]
    col = lax.broadcasted_iota(jnp.int32, yb.shape, 1)
    valid = jnp.logical_and(col >= _DATA, col < 2 * _DATA)
    vals = jnp.where(valid, jnp.abs(yb), 1.0)
    flags_ref[...] = jnp.min(vals, axis=1)


def _process_row(r_src, r_dst, mask_v, pred_v, out_v, zbuf):
    iota = lax.iota(jnp.int32, _L)
    r_splat = jnp.full((_L,), r_dst, jnp.int32)

    def chunk(c, nz_carry):
        off = c * _L
        w = plsc.load_gather(
            mask_v, [jnp.full((_L,), r_src, jnp.int32),
                     jnp.full((_L,), c, jnp.int32)])
        p = pred_v[r_src, pl.ds(off, _L)]
        nz = ((w >> iota) & 1) == 1
        cum = plsc.cumsum(nz.astype(jnp.int32))
        plsc.store_scatter(out_v, [r_splat, nz_carry + cum - 1], p, mask=nz)
        pos_z = (off - nz_carry) + (iota + 1 - cum) - 1
        plsc.store_scatter(zbuf, [pos_z], p, mask=jnp.logical_not(nz))
        return nz_carry + plsc.all_reduce_population_count(nz)

    nz_carry = lax.fori_loop(
        0, _NFULL, chunk, jnp.zeros((_L,), jnp.int32))

    w22 = plsc.load_gather(
        mask_v, [jnp.full((_L,), r_src, jnp.int32),
                 jnp.full((_L,), _NFULL, jnp.int32)])
    p = pred_v[r_src, pl.ds(_TAIL_OFF, _L)]
    valid = iota >= (_L - (_DATA - _NFULL * _L))
    nz_bit = (w22 >> jnp.maximum(iota - 8, 0)) & 1
    nz = jnp.logical_and(nz_bit == 1, valid)
    vcnt = jnp.maximum(iota - 7, 0)
    cum = plsc.cumsum(nz.astype(jnp.int32))
    plsc.store_scatter(out_v, [r_splat, nz_carry + cum - 1], p, mask=nz)
    zm = jnp.logical_and(valid, jnp.logical_not(nz))
    pos_z = (_NFULL * _L - nz_carry) + (vcnt - cum) - 1
    plsc.store_scatter(zbuf, [pos_z], p, mask=zm)
    nz_carry = nz_carry + plsc.all_reduce_population_count(nz)

    zc = _DATA - nz_carry
    zc_s = jnp.max(zc)

    @pl.when(zc_s > 0)
    def _append_zeros():
        def append(c, carry):
            off = c * _L
            zv = zbuf[pl.ds(off, _L)]
            i_vec = off + iota
            pos = jnp.minimum(nz_carry + i_vec, _DATA - 1)
            plsc.store_scatter(out_v, [r_splat, pos], zv, mask=i_vec < zc)
            return carry

        lax.fori_loop(0, _NFULL + 1, append, 0)

    return 0


def _sc_body(pred_hbm, mask_hbm, out_hbm, dummy_hbm,
             mw_v, p_v, o_v, zbuf, smw, sip, sp, so):
    wid = lax.axis_index("c") * 16 + lax.axis_index("s")
    w0 = wid * _ROWS_PER_W
    iota = lax.iota(jnp.int32, _L)

    def base_of(b):
        return w0 + b * _RBLK

    def start_p(b, j):
        base = base_of(b)
        pltpu.async_copy(
            pred_hbm.at[0, pl.ds(base, _RBLK), :], p_v[j], sip[j])
        pltpu.async_copy(
            mask_hbm.at[pl.ds(base, _RBLK), :], mw_v[j], smw[j])

    def wait_p(j):
        pltpu.make_async_copy(
            pred_hbm.at[0, pl.ds(0, _RBLK), :], p_v[j], sip[j]).wait()
        pltpu.make_async_copy(
            mask_hbm.at[pl.ds(0, _RBLK), :], mw_v[j], smw[j]).wait()

    def wait_out_block():
        pltpu.make_async_copy(
            p_v[0], out_hbm.at[0, pl.ds(0, _RBLK), :], so).wait()

    _e0 = jnp.full((_L,), 0xFFFF, jnp.int32)
    _e1 = jnp.where(iota < 14, 0xFFFF, jnp.where(iota == 14, 0xFF, 0))

    def process(b, j):
        base = base_of(b)


        @pl.when(b >= 3)
        def _drain_prev():
            wait_out_block()

        @pl.when(b + 1 < _NBLK)
        def _prefetch():
            start_p(b + 1, (j + 1) % 4)

        wait_p(j)

        def chk(r, acc):
            d0 = mw_v[j][r, pl.ds(0, _L)] ^ _e0
            d1 = mw_v[j][r, pl.ds(_NW24 - _L, _L)] ^ _e1
            return acc | d0 | d1

        acc = lax.fori_loop(0, _RBLK, chk, jnp.zeros((_L,), jnp.int32))
        clean = jnp.max(acc) == 0

        @pl.when(clean)
        def _fast():
            pltpu.async_copy(p_v[j], out_hbm.at[0, pl.ds(base, _RBLK), :],
                             so)

        @pl.when(jnp.logical_not(clean))
        def _slow():
            def sub(sb, carry):
                lax.fori_loop(
                    0, _SUB,
                    lambda rr, cc: _process_row(
                        sb * _SUB + rr, rr, mw_v[j], p_v[j], o_v, zbuf),
                    0)
                oc = pltpu.make_async_copy(
                    o_v,
                    out_hbm.at[0, pl.ds(base + sb * _SUB, _SUB), :], sp)
                oc.start()
                oc.wait()
                return carry

            lax.fori_loop(0, _RBLK // _SUB, sub, 0)
            pltpu.async_copy(p_v[j], dummy_hbm, so)

    start_p(0, 0)

    def body(i, carry):
        for jj in range(4):
            process(4 * i + jj, jj)
        return carry

    lax.fori_loop(0, _NBLK // 4, body, 0)
    for _ in range(3):
        wait_out_block()


@jax.jit
def kernel(pred, y):
    mask2 = y[0, :, _DATA:2 * _DATA]
    nzb = (mask2 != 0.0).astype(jnp.int32)
    nzb = jnp.pad(nzb, ((0, 0), (0, _NW24 * _L - _DATA)))
    weights = (1 << jnp.arange(_L, dtype=jnp.int32))
    mwords = jnp.einsum("rck,k->rc",
                        nzb.reshape(_NUM_ROIS, _NW24, _L), weights,
                        preferred_element_type=jnp.int32)

    run = pl.kernel(
        _sc_body,
        out_type=(jax.ShapeDtypeStruct((1, _NUM_ROIS, _DATA), jnp.float32),
                  jax.ShapeDtypeStruct((_RBLK, _DATA), jnp.float32)),
        mesh=plsc.VectorSubcoreMesh(core_axis_name="c", subcore_axis_name="s"),
        compiler_params=pltpu.CompilerParams(needs_layout_passes=False),
        scratch_types=[
            [pltpu.VMEM((_RBLK, _NW24), jnp.int32) for _ in range(4)],
            [pltpu.VMEM((_RBLK, _DATA), jnp.float32) for _ in range(4)],
            pltpu.VMEM((_SUB, _DATA), jnp.float32),
            pltpu.VMEM((_NFULL * _L + _L * 2,), jnp.float32),
            [pltpu.SemaphoreType.DMA for _ in range(4)],
            [pltpu.SemaphoreType.DMA for _ in range(4)],
            pltpu.SemaphoreType.DMA,
            pltpu.SemaphoreType.DMA,
        ],
    )
    return run(pred, mwords)[0]

# --- scband reference (transcript-rebuilt; emitter-appended) ---
"""Pipeline reference for scband-slice-tensor-4870492914061 (READ-ONLY COPY).

The authoritative reference and input builder live on the scoring server;
editing this copy changes nothing except your own understanding.
"""

import jax, jax.numpy as jnp
import numpy as np

NUM_ROIS = 16384
DATA_SIZE = 360

def setup_inputs(seed: int = 0) -> dict:
    key = jax.random.key(seed)
    k1, k2 = jax.random.split(key)
    pred = jax.random.normal(k1, (1, NUM_ROIS, DATA_SIZE), dtype=jnp.float32)
    # y layout: [:, :, 0:360] unused payload, [:, :, 360:-1] = labels_mask (length 360),
    # [:, :, -1] = labels. ones => every mask entry nonzero => exactly DATA_SIZE gathered per roi,
    # which is required for the final reshape to (1, num_rois, data_size) to be valid.
    y = jnp.ones((1, NUM_ROIS, 2 * DATA_SIZE + 1), dtype=jnp.float32)
    return {"pred": pred, "y": y}

def reference(pred, y):
    labels_mask = y[0, :, DATA_SIZE:-1]            # (num_rois, 360)
    labels = y[0, :, -1].astype(jnp.int32)         # computed in original call(), unused in output
    p = pred[0, :, :]                              # (num_rois, 360)

    def per_row(mask_row, pred_row):
        # indices where mask != 0, in original order (stable argsort puts zeros-of-key first)
        key = (mask_row == 0.0).astype(jnp.int32)  # 0 where nonzero mask, 1 where zero
        idx = jnp.argsort(key)[:DATA_SIZE]
        return jnp.take(pred_row, idx, axis=0)

    gathered = jax.vmap(per_row)(labels_mask, p)   # (num_rois, 360)
    final_output = gathered.reshape(1, NUM_ROIS, DATA_SIZE)
    return final_output

if __name__ == "__main__":
    import jax
    _d = setup_inputs()
    print(jax.jit(kernel)(*tuple(_d.values())))

</pallas_src>

<mosaic_0001>
#map = affine_map<(d0, d1) -> (0, 0, 0)>
#map1 = affine_map<(d0, d1) -> (0, 0)>
module attributes {stable_mosaic.version = 14 : i64} {
  func.func @_sc_body(%arg0: i32, %arg1: i32, %arg2: memref<1x16384x360xf32, #tpu.memory_space<hbm>>, %arg3: memref<16384x24xi32, #tpu.memory_space<hbm>>, %arg4: memref<1x16384x360xf32, #tpu.memory_space<hbm>>, %arg5: memref<32x360xf32, #tpu.memory_space<hbm>>, %arg6: memref<32x24xi32, #tpu.memory_space<vmem>>, %arg7: memref<32x24xi32, #tpu.memory_space<vmem>>, %arg8: memref<32x24xi32, #tpu.memory_space<vmem>>, %arg9: memref<32x24xi32, #tpu.memory_space<vmem>>, %arg10: memref<32x360xf32, #tpu.memory_space<vmem>>, %arg11: memref<32x360xf32, #tpu.memory_space<vmem>>, %arg12: memref<32x360xf32, #tpu.memory_space<vmem>>, %arg13: memref<32x360xf32, #tpu.memory_space<vmem>>, %arg14: memref<8x360xf32, #tpu.memory_space<vmem>>, %arg15: memref<384xf32, #tpu.memory_space<vmem>>, %arg16: memref<!tpu.dma_semaphore, #tpu.memory_space<semaphore_mem>>, %arg17: memref<!tpu.dma_semaphore, #tpu.memory_space<semaphore_mem>>, %arg18: memref<!tpu.dma_semaphore, #tpu.memory_space<semaphore_mem>>, %arg19: memref<!tpu.dma_semaphore, #tpu.memory_space<semaphore_mem>>, %arg20: memref<!tpu.dma_semaphore, #tpu.memory_space<semaphore_mem>>, %arg21: memref<!tpu.dma_semaphore, #tpu.memory_space<semaphore_mem>>, %arg22: memref<!tpu.dma_semaphore, #tpu.memory_space<semaphore_mem>>, %arg23: memref<!tpu.dma_semaphore, #tpu.memory_space<semaphore_mem>>, %arg24: memref<!tpu.dma_semaphore, #tpu.memory_space<semaphore_mem>>, %arg25: memref<!tpu.dma_semaphore, #tpu.memory_space<semaphore_mem>>) attributes {dimension_semantics = [#tpu.dimension_semantics<core_parallel>, #tpu.dimension_semantics<subcore_parallel>], iteration_bounds = array<i64: 2, 16>, scalar_prefetch = 0 : i64, scratch_operands = 20 : i64, tpu.core_type = #tpu.core_type<sc_vector_subcore>, window_params = [{transform_indices = #map}, {transform_indices = #map1}, {transform_indices = #map}, {transform_indices = #map1}]} {
    %mul3A = arith.constant 16 : i32
    %mul3A_0 = arith.muli %arg0, %mul3A : i32
    %add3A = arith.addi %mul3A_0, %arg1 : i32
    %mul3A_1 = arith.constant 512 : i32
    %mul3A_2 = arith.muli %add3A, %mul3A_1 : i32
    %iota3A = tpu.iota {dimensions = array<i32: 0>} : vector<16xi32>
    %broadcast_in_dim3A = arith.constant 65535 : i32
    %broadcast_in_dim3A_3 = vector.broadcast %broadcast_in_dim3A : i32 to vector<16xi32>
    %lt3A = arith.constant 14 : i32
    %lt3A_4 = vector.broadcast %lt3A : i32 to vector<16xi32>
    %lt3A_5 = arith.cmpi slt, %iota3A, %lt3A_4 : vector<16xi32>
    %eq3A = arith.constant 14 : i32
    %eq3A_6 = vector.broadcast %eq3A : i32 to vector<16xi32>
    %eq3A_7 = arith.cmpi eq, %iota3A, %eq3A_6 : vector<16xi32>
    %jit3A = arith.constant 255 : i32
    %jit3A_8 = arith.constant 0 : i32
    %broadcast_in_dim3A_9 = vector.broadcast %jit3A : i32 to vector<16xi32>
    %broadcast_in_dim3A_10 = vector.broadcast %jit3A_8 : i32 to vector<16xi32>
    %select_n3A = arith.select %eq3A_7, %broadcast_in_dim3A_9, %broadcast_in_dim3A_10 : vector<16xi1>, vector<16xi32>
    %jit3A_11 = arith.constant 65535 : i32
    %broadcast_in_dim3A_12 = vector.broadcast %jit3A_11 : i32 to vector<16xi32>
    %select_n3A_13 = arith.select %lt3A_5, %broadcast_in_dim3A_12, %select_n3A : vector<16xi1>, vector<16xi32>
    %add3A_14 = arith.constant 0 : i32
    %add3A_15 = arith.addi %mul3A_2, %add3A_14 : i32
    %dma_start3A = arith.constant 0 : i32
    %dma_start3A_16 = arith.constant 0 : i32
    %dma_start3A_17 = tpu.memref_slice %arg2[%dma_start3A, %add3A_15, %dma_start3A_16] : memref<1x16384x360xf32, #tpu.memory_space<hbm>> -> memref<1x32x360xf32, #tpu.memory_space<hbm>>
    %dma_start3A_18 = tpu.memref_squeeze %dma_start3A_17 : memref<1x32x360xf32, #tpu.memory_space<hbm>> -> memref<32x360xf32, #tpu.memory_space<hbm>>
    %dma_start3A_19 = arith.constant 0 : i32
    %dma_start3A_20 = tpu.memref_slice %arg2[%dma_start3A, %add3A_15, %dma_start3A_19] : memref<1x16384x360xf32, #tpu.memory_space<hbm>> -> memref<1x32x360xf32, #tpu.memory_space<hbm>>
    %dma_start3A_21 = tpu.memref_squeeze %dma_start3A_20 : memref<1x32x360xf32, #tpu.memory_space<hbm>> -> memref<32x360xf32, #tpu.memory_space<hbm>>
    tpu.enqueue_dma source(%dma_start3A_21 : memref<32x360xf32, #tpu.memory_space<hbm>>) target(%arg10 : memref<32x360xf32, #tpu.memory_space<vmem>>) target_semaphore(%arg20 : memref<!tpu.dma_semaphore, #tpu.memory_space<semaphore_mem>>)
    %dma_start3A_22 = arith.constant 0 : i32
    %dma_start3A_23 = tpu.memref_slice %arg3[%add3A_15, %dma_start3A_22] : memref<16384x24xi32, #tpu.memory_space<hbm>> -> memref<32x24xi32, #tpu.memory_space<hbm>>
    %dma_start3A_24 = arith.constant 0 : i32
    %dma_start3A_25 = tpu.memref_slice %arg3[%add3A_15, %dma_start3A_24] : memref<16384x24xi32, #tpu.memory_space<hbm>> -> memref<32x24xi32, #tpu.memory_space<hbm>>
    tpu.enqueue_dma source(%dma_start3A_25 : memref<32x24xi32, #tpu.memory_space<hbm>>) target(%arg6 : memref<32x24xi32, #tpu.memory_space<vmem>>) target_semaphore(%arg16 : memref<!tpu.dma_semaphore, #tpu.memory_space<semaphore_mem>>)
    %scan3A = arith.constant 0 : i32
    %scan3A_26 = arith.constant 0 : i32
    %scan3A_27 = arith.constant 4 : i32
    %scan3A_28 = arith.addi %scan3A_26, %scan3A_27 : i32
    %scan3A_29 = arith.constant 1 : i32
    scf.for %scan3A_57 = %scan3A_26 to %scan3A_28 step %scan3A_29  : i32 {
      %mul3A_58 = arith.constant 4 : i32
      %mul3A_59 = arith.muli %mul3A_58, %scan3A_57 : i32
      %add3A_60 = arith.constant 0 : i32
      %add3A_61 = arith.addi %mul3A_59, %add3A_60 : i32
      %mul3A_62 = arith.constant 32 : i32
      %mul3A_63 = arith.muli %add3A_61, %mul3A_62 : i32
      %add3A_64 = arith.addi %mul3A_2, %mul3A_63 : i32
      %ge3A = arith.constant 3 : i32
      %ge3A_65 = arith.cmpi sge, %add3A_61, %ge3A : i32
      %convert_element_type3A = arith.extui %ge3A_65 : i1 to i32
      %cond3A = arith.constant 0 : i32
      %cond3A_66 = arith.cmpi ne, %convert_element_type3A, %cond3A : i32
      scf.if %cond3A_66 {
        %dma_wait3A_293 = arith.constant 0 : i32
        %dma_wait3A_294 = arith.constant 0 : i32
        %dma_wait3A_295 = arith.constant 0 : i32
        %dma_wait3A_296 = tpu.memref_slice %arg4[%dma_wait3A_293, %dma_wait3A_294, %dma_wait3A_295] : memref<1x16384x360xf32, #tpu.memory_space<hbm>> -> memref<1x32x360xf32, #tpu.memory_space<hbm>>
        %dma_wait3A_297 = tpu.memref_squeeze %dma_wait3A_296 : memref<1x32x360xf32, #tpu.memory_space<hbm>> -> memref<32x360xf32, #tpu.memory_space<hbm>>
        %dma_wait3A_298 = arith.constant 0 : i32
        %dma_wait3A_299 = arith.constant 0 : i32
        %dma_wait3A_300 = tpu.memref_slice %arg4[%dma_wait3A_293, %dma_wait3A_298, %dma_wait3A_299] : memref<1x16384x360xf32, #tpu.memory_space<hbm>> -> memref<1x32x360xf32, #tpu.memory_space<hbm>>
        %dma_wait3A_301 = tpu.memref_squeeze %dma_wait3A_300 : memref<1x32x360xf32, #tpu.memory_space<hbm>> -> memref<32x360xf32, #tpu.memory_space<hbm>>
        tpu.wait_dma2 semaphore(%arg25 : memref<!tpu.dma_semaphore, #tpu.memory_space<semaphore_mem>>) src(%arg10 : memref<32x360xf32, #tpu.memory_space<vmem>>) dst(%dma_wait3A_301 : memref<32x360xf32, #tpu.memory_space<hbm>>)
      } else {
      }
      %add3A_67 = arith.constant 1 : i32
      %add3A_68 = arith.addi %add3A_61, %add3A_67 : i32
      %lt3A_69 = arith.constant 16 : i32
      %lt3A_70 = arith.cmpi slt, %add3A_68, %lt3A_69 : i32
      %convert_element_type3A_71 = arith.extui %lt3A_70 : i1 to i32
      %cond3A_72 = arith.constant 0 : i32
      %cond3A_73 = arith.cmpi ne, %convert_element_type3A_71, %cond3A_72 : i32
      scf.if %cond3A_73 {
        %add3A_293 = arith.constant 1 : i32
        %add3A_294 = arith.addi %add3A_61, %add3A_293 : i32
        %mul3A_295 = arith.constant 32 : i32
        %mul3A_296 = arith.muli %add3A_294, %mul3A_295 : i32
        %add3A_297 = arith.addi %mul3A_2, %mul3A_296 : i32
        %dma_start3A_298 = arith.constant 0 : i32
        %dma_start3A_299 = arith.constant 0 : i32
        %dma_start3A_300 = tpu.memref_slice %arg2[%dma_start3A_298, %add3A_297, %dma_start3A_299] : memref<1x16384x360xf32, #tpu.memory_space<hbm>> -> memref<1x32x360xf32, #tpu.memory_space<hbm>>
        %dma_start3A_301 = tpu.memref_squeeze %dma_start3A_300 : memref<1x32x360xf32, #tpu.memory_space<hbm>> -> memref<32x360xf32, #tpu.memory_space<hbm>>
        %dma_start3A_302 = arith.constant 0 : i32
        %dma_start3A_303 = tpu.memref_slice %arg2[%dma_start3A_298, %add3A_297, %dma_start3A_302] : memref<1x16384x360xf32, #tpu.memory_space<hbm>> -> memref<1x32x360xf32, #tpu.memory_space<hbm>>
        %dma_start3A_304 = tpu.memref_squeeze %dma_start3A_303 : memref<1x32x360xf32, #tpu.memory_space<hbm>> -> memref<32x360xf32, #tpu.memory_space<hbm>>
        tpu.enqueue_dma source(%dma_start3A_304 : memref<32x360xf32, #tpu.memory_space<hbm>>) target(%arg11 : memref<32x360xf32, #tpu.memory_space<vmem>>) target_semaphore(%arg21 : memref<!tpu.dma_semaphore, #tpu.memory_space<semaphore_mem>>)
        %dma_start3A_305 = arith.constant 0 : i32
        %dma_start3A_306 = tpu.memref_slice %arg3[%add3A_297, %dma_start3A_305] : memref<16384x24xi32, #tpu.memory_space<hbm>> -> memref<32x24xi32, #tpu.memory_space<hbm>>
        %dma_start3A_307 = arith.constant 0 : i32
        %dma_start3A_308 = tpu.memref_slice %arg3[%add3A_297, %dma_start3A_307] : memref<16384x24xi32, #tpu.memory_space<hbm>> -> memref<32x24xi32, #tpu.memory_space<hbm>>
        tpu.enqueue_dma source(%dma_start3A_308 : memref<32x24xi32, #tpu.memory_space<hbm>>) target(%arg7 : memref<32x24xi32, #tpu.memory_space<vmem>>) target_semaphore(%arg17 : memref<!tpu.dma_semaphore, #tpu.memory_space<semaphore_mem>>)
      } else {
      }
      %dma_wait3A_74 = arith.constant 0 : i32
      %dma_wait3A_75 = arith.constant 0 : i32
      %dma_wait3A_76 = arith.constant 0 : i32
      %dma_wait3A_77 = tpu.memref_slice %arg2[%dma_wait3A_74, %dma_wait3A_75, %dma_wait3A_76] : memref<1x16384x360xf32, #tpu.memory_space<hbm>> -> memref<1x32x360xf32, #tpu.memory_space<hbm>>
      %dma_wait3A_78 = tpu.memref_squeeze %dma_wait3A_77 : memref<1x32x360xf32, #tpu.memory_space<hbm>> -> memref<32x360xf32, #tpu.memory_space<hbm>>
      %dma_wait3A_79 = arith.constant 0 : i32
      %dma_wait3A_80 = arith.constant 0 : i32
      %dma_wait3A_81 = tpu.memref_slice %arg2[%dma_wait3A_74, %dma_wait3A_79, %dma_wait3A_80] : memref<1x16384x360xf32, #tpu.memory_space<hbm>> -> memref<1x32x360xf32, #tpu.memory_space<hbm>>
      %dma_wait3A_82 = tpu.memref_squeeze %dma_wait3A_81 : memref<1x32x360xf32, #tpu.memory_space<hbm>> -> memref<32x360xf32, #tpu.memory_space<hbm>>
      tpu.wait_dma2 semaphore(%arg20 : memref<!tpu.dma_semaphore, #tpu.memory_space<semaphore_mem>>) src(%dma_wait3A_82 : memref<32x360xf32, #tpu.memory_space<hbm>>) dst(%arg10 : memref<32x360xf32, #tpu.memory_space<vmem>>)
      %dma_wait3A_83 = arith.constant 0 : i32
      %dma_wait3A_84 = arith.constant 0 : i32
      %dma_wait3A_85 = tpu.memref_slice %arg3[%dma_wait3A_83, %dma_wait3A_84] : memref<16384x24xi32, #tpu.memory_space<hbm>> -> memref<32x24xi32, #tpu.memory_space<hbm>>
      %dma_wait3A_86 = arith.constant 0 : i32
      %dma_wait3A_87 = arith.constant 0 : i32
      %dma_wait3A_88 = tpu.memref_slice %arg3[%dma_wait3A_86, %dma_wait3A_87] : memref<16384x24xi32, #tpu.memory_space<hbm>> -> memref<32x24xi32, #tpu.memory_space<hbm>>
      tpu.wait_dma2 semaphore(%arg16 : memref<!tpu.dma_semaphore, #tpu.memory_space<semaphore_mem>>) src(%dma_wait3A_88 : memref<32x24xi32, #tpu.memory_space<hbm>>) dst(%arg6 : memref<32x24xi32, #tpu.memory_space<vmem>>)
      %broadcast_in_dim3A_89 = arith.constant 0 : i32
      %broadcast_in_dim3A_90 = vector.broadcast %broadcast_in_dim3A_89 : i32 to vector<16xi32>
      %scan3A_91 = arith.constant 0 : i32
      %scan3A_92 = arith.constant 32 : i32
      %scan3A_93 = arith.addi %scan3A_91, %scan3A_92 : i32
      %scan3A_94 = arith.constant 1 : i32
      %scan3A_95 = scf.for %scan3A_293 = %scan3A_91 to %scan3A_93 step %scan3A_94 iter_args(%scan3A_294 = %broadcast_in_dim3A_90) -> (vector<16xi32>)  : i32 {
        %get3A = arith.index_cast %scan3A_293 : i32 to index
        %get3A_295 = arith.constant 0 : index
        %get3A_296 = tpu.vector_load %arg6[%get3A, %get3A_295] {strides = array<i32>} : memref<32x24xi32, #tpu.memory_space<vmem>>, vector<16xi32>,
        %xor3A = arith.xori %get3A_296, %broadcast_in_dim3A_3 : vector<16xi32>
        %get3A_297 = arith.index_cast %scan3A_293 : i32 to index
        %get3A_298 = arith.constant 8 : index
        %get3A_299 = tpu.vector_load %arg6[%get3A_297, %get3A_298] {strides = array<i32>} : memref<32x24xi32, #tpu.memory_space<vmem>>, vector<16xi32>,
        %xor3A_300 = arith.xori %get3A_299, %select_n3A_13 : vector<16xi32>
        %or3A = arith.ori %scan3A_294, %xor3A : vector<16xi32>
        %or3A_301 = arith.ori %or3A, %xor3A_300 : vector<16xi32>
        scf.yield %or3A_301 : vector<16xi32>
      }
      %scan3A_96 = arith.constant 32 : i32
      %reduce_max3A = arith.constant true
      %reduce_max3A_97 = vector.broadcast %reduce_max3A : i1 to vector<16xi1>
      %reduce_max3A_98 = arith.constant -2147483648 : i32
      %reduce_max3A_99 = vector.broadcast %reduce_max3A_98 : i32 to vector<16xi32>
      %reduce_max3A_100 = arith.xori %scan3A_95, %reduce_max3A_99 : vector<16xi32>
      %reduce_max3A_101 = tpu.scan <max>, %reduce_max3A_100 masked %reduce_max3A_97 : vector<16xi32>, vector<16xi1> -> vector<16xi32>
      %reduce_max3A_102 = arith.xori %reduce_max3A_101, %reduce_max3A_99 : vector<16xi32>
      %reduce_max3A_103 = vector.extract %reduce_max3A_102[15] : i32 from vector<16xi32>
      %eq3A_104 = arith.constant 0 : i32
      %eq3A_105 = arith.cmpi eq, %reduce_max3A_103, %eq3A_104 : i32
      %convert_element_type3A_106 = arith.extui %eq3A_105 : i1 to i32
      %cond3A_107 = arith.constant 0 : i32
      %cond3A_108 = arith.cmpi ne, %convert_element_type3A_106, %cond3A_107 : i32
      scf.if %cond3A_108 {
        %dma_start3A_293 = arith.constant 0 : i32
        %dma_start3A_294 = arith.constant 0 : i32
        %dma_start3A_295 = tpu.memref_slice %arg4[%dma_start3A_293, %add3A_64, %dma_start3A_294] : memref<1x16384x360xf32, #tpu.memory_space<hbm>> -> memref<1x32x360xf32, #tpu.memory_space<hbm>>
        %dma_start3A_296 = tpu.memref_squeeze %dma_start3A_295 : memref<1x32x360xf32, #tpu.memory_space<hbm>> -> memref<32x360xf32, #tpu.memory_space<hbm>>
        %dma_start3A_297 = arith.constant 0 : i32
        %dma_start3A_298 = tpu.memref_slice %arg4[%dma_start3A_293, %add3A_64, %dma_start3A_297] : memref<1x16384x360xf32, #tpu.memory_space<hbm>> -> memref<1x32x360xf32, #tpu.memory_space<hbm>>
        %dma_start3A_299 = tpu.memref_squeeze %dma_start3A_298 : memref<1x32x360xf32, #tpu.memory_space<hbm>> -> memref<32x360xf32, #tpu.memory_space<hbm>>
        tpu.enqueue_dma source(%arg10 : memref<32x360xf32, #tpu.memory_space<vmem>>) target(%dma_start3A_299 : memref<32x360xf32, #tpu.memory_space<hbm>>) target_semaphore(%arg25 : memref<!tpu.dma_semaphore, #tpu.memory_space<semaphore_mem>>)
      } else {
      }
      %not3A = arith.constant true
      %not3A_109 = arith.xori %eq3A_105, %not3A : i1
      %convert_element_type3A_110 = arith.extui %not3A_109 : i1 to i32
      %cond3A_111 = arith.constant 0 : i32
      %cond3A_112 = arith.cmpi ne, %convert_element_type3A_110, %cond3A_111 : i32
      scf.if %cond3A_112 {
        %scan3A_293 = arith.constant 0 : i32
        %scan3A_294 = arith.constant 0 : i32
        %scan3A_295 = arith.constant 4 : i32
        %scan3A_296 = arith.addi %scan3A_294, %scan3A_295 : i32
        %scan3A_297 = arith.constant 1 : i32
        scf.for %scan3A_299 = %scan3A_294 to %scan3A_296 step %scan3A_297  : i32 {
          %scan3A_300 = arith.constant 0 : i32
          %scan3A_301 = arith.constant 0 : i32
          %scan3A_302 = arith.constant 8 : i32
          %scan3A_303 = arith.addi %scan3A_301, %scan3A_302 : i32
          %scan3A_304 = arith.constant 1 : i32
          %scan3A_305 = scf.for %scan3A_324 = %scan3A_301 to %scan3A_303 step %scan3A_304 iter_args(%scan3A_325 = %scan3A_300) -> (i32)  : i32 {
            %mul3A_326 = arith.constant 8 : i32
            %mul3A_327 = arith.muli %scan3A_299, %mul3A_326 : i32
            %add3A_328 = arith.addi %mul3A_327, %scan3A_324 : i32
            %iota3A_329 = tpu.iota {dimensions = array<i32: 0>} : vector<16xi32>
            %broadcast_in_dim3A_330 = vector.broadcast %scan3A_324 : i32 to vector<16xi32>
            %broadcast_in_dim3A_331 = arith.constant 0 : i32
            %broadcast_in_dim3A_332 = vector.broadcast %broadcast_in_dim3A_331 : i32 to vector<16xi32>
            %scan3A_333 = arith.constant 0 : i32
            %scan3A_334 = arith.constant 22 : i32
            %scan3A_335 = arith.addi %scan3A_333, %scan3A_334 : i32
            %scan3A_336 = arith.constant 1 : i32
            %scan3A_337 = scf.for %scan3A_398 = %scan3A_333 to %scan3A_335 step %scan3A_336 iter_args(%scan3A_399 = %broadcast_in_dim3A_332) -> (vector<16xi32>)  : i32 {
              %mul3A_400 = arith.constant 16 : i32
              %mul3A_401 = arith.muli %scan3A_398, %mul3A_400 : i32
              %broadcast_in_dim3A_402 = vector.broadcast %add3A_328 : i32 to vector<16xi32>
              %broadcast_in_dim3A_403 = vector.broadcast %scan3A_398 : i32 to vector<16xi32>
              %gather3A_404 = tpu.vector_load_idx %arg6[%broadcast_in_dim3A_402, %broadcast_in_dim3A_403] : memref<32x24xi32, #tpu.memory_space<vmem>>[vector<16xi32>, vector<16xi32>], vector<16xi32>,
              %get3A_405 = arith.index_cast %add3A_328 : i32 to index
              %get3A_406 = arith.index_cast %mul3A_401 : i32 to index
              %get3A_407 = tpu.vector_load %arg10[%get3A_405, %get3A_406] {strides = array<i32>} : memref<32x360xf32, #tpu.memory_space<vmem>>, vector<16xf32>,
              %shift_right_arithmetic3A_408 = arith.shrsi %gather3A_404, %iota3A_329 : vector<16xi32>
              %and3A_409 = arith.constant 1 : i32
              %and3A_410 = vector.broadcast %and3A_409 : i32 to vector<16xi32>
              %and3A_411 = arith.andi %shift_right_arithmetic3A_408, %and3A_410 : vector<16xi32>
              %eq3A_412 = arith.constant 1 : i32
              %eq3A_413 = vector.broadcast %eq3A_412 : i32 to vector<16xi32>
              %eq3A_414 = arith.cmpi eq, %and3A_411, %eq3A_413 : vector<16xi32>
              %convert_element_type3A_415 = arith.extui %eq3A_414 : vector<16xi1> to vector<16xi32>
              %broadcast_in_dim3A_416 = arith.constant true
              %broadcast_in_dim3A_417 = vector.broadcast %broadcast_in_dim3A_416 : i1 to vector<16xi1>
              %masked_cumsum3A_418 = tpu.scan <sum>, %convert_element_type3A_415 masked %broadcast_in_dim3A_417 : vector<16xi32>, vector<16xi1> -> vector<16xi32>
              %add3A_419 = arith.addi %scan3A_399, %masked_cumsum3A_418 : vector<16xi32>
              %sub3A_420 = arith.constant 1 : i32
              %sub3A_421 = vector.broadcast %sub3A_420 : i32 to vector<16xi32>
              %sub3A_422 = arith.subi %add3A_419, %sub3A_421 : vector<16xi32>
              tpu.vector_store_idx %arg14[%broadcast_in_dim3A_330, %sub3A_422], %get3A_407 masked %eq3A_414 : memref<8x360xf32, #tpu.memory_space<vmem>>[vector<16xi32>, vector<16xi32>], vector<16xf32>, vector<16xi1>
              %sub3A_423 = vector.broadcast %mul3A_401 : i32 to vector<16xi32>
              %sub3A_424 = arith.subi %sub3A_423, %scan3A_399 : vector<16xi32>
              %add3A_425 = arith.constant 1 : i32
              %add3A_426 = vector.broadcast %add3A_425 : i32 to vector<16xi32>
              %add3A_427 = arith.addi %iota3A_329, %add3A_426 : vector<16xi32>
              %sub3A_428 = arith.subi %add3A_427, %masked_cumsum3A_418 : vector<16xi32>
              %add3A_429 = arith.addi %sub3A_424, %sub3A_428 : vector<16xi32>
              %sub3A_430 = arith.constant 1 : i32
              %sub3A_431 = vector.broadcast %sub3A_430 : i32 to vector<16xi32>
              %sub3A_432 = arith.subi %add3A_429, %sub3A_431 : vector<16xi32>
              %not3A_433 = arith.constant dense<true> : vector<16xi1>
              %not3A_434 = arith.xori %eq3A_414, %not3A_433 : vector<16xi1>
              tpu.vector_store_idx %arg15[%sub3A_432], %get3A_407 masked %not3A_434 : memref<384xf32, #tpu.memory_space<vmem>>[vector<16xi32>], vector<16xf32>, vector<16xi1>
              %all_reduce_population_count3A_435 = tpu.all_reduce %eq3A_414 {dim = 0 : i64, kind = #tpu.reduction_kind<sum>} : vector<16xi1> -> vector<16xi32>
              %add3A_436 = arith.addi %scan3A_399, %all_reduce_population_count3A_435 : vector<16xi32>
              scf.yield %add3A_436 : vector<16xi32>
            }
            %scan3A_338 = arith.constant 22 : i32
            %broadcast_in_dim3A_339 = vector.broadcast %add3A_328 : i32 to vector<16xi32>
            %broadcast_in_dim3A_340 = arith.constant 22 : i32
            %broadcast_in_dim3A_341 = vector.broadcast %broadcast_in_dim3A_340 : i32 to vector<16xi32>
            %gather3A = tpu.vector_load_idx %arg6[%broadcast_in_dim3A_339, %broadcast_in_dim3A_341] : memref<32x24xi32, #tpu.memory_space<vmem>>[vector<16xi32>, vector<16xi32>], vector<16xi32>,
            %get3A = arith.index_cast %add3A_328 : i32 to index
            %get3A_342 = arith.constant 344 : index
            %get3A_343 = tpu.vector_load %arg10[%get3A, %get3A_342] {strides = array<i32>} : memref<32x360xf32, #tpu.memory_space<vmem>>, vector<16xf32>,
            %ge3A_344 = arith.constant 8 : i32
            %ge3A_345 = vector.broadcast %ge3A_344 : i32 to vector<16xi32>
            %ge3A_346 = arith.cmpi sge, %iota3A_329, %ge3A_345 : vector<16xi32>
            %sub3A = arith.constant 8 : i32
            %sub3A_347 = vector.broadcast %sub3A : i32 to vector<16xi32>
            %sub3A_348 = arith.subi %iota3A_329, %sub3A_347 : vector<16xi32>
            %max3A = arith.constant 0 : i32
            %max3A_349 = vector.broadcast %max3A : i32 to vector<16xi32>
            %max3A_350 = arith.maxsi %sub3A_348, %max3A_349 : vector<16xi32>
            %shift_right_arithmetic3A = arith.shrsi %gather3A, %max3A_350 : vector<16xi32>
            %and3A = arith.constant 1 : i32
            %and3A_351 = vector.broadcast %and3A : i32 to vector<16xi32>
            %and3A_352 = arith.andi %shift_right_arithmetic3A, %and3A_351 : vector<16xi32>
            %eq3A_353 = arith.constant 1 : i32
            %eq3A_354 = vector.broadcast %eq3A_353 : i32 to vector<16xi32>
            %eq3A_355 = arith.cmpi eq, %and3A_352, %eq3A_354 : vector<16xi32>
            %and3A_356 = arith.andi %eq3A_355, %ge3A_346 : vector<16xi1>
            %sub3A_357 = arith.constant 7 : i32
            %sub3A_358 = vector.broadcast %sub3A_357 : i32 to vector<16xi32>
            %sub3A_359 = arith.subi %iota3A_329, %sub3A_358 : vector<16xi32>
            %max3A_360 = arith.constant 0 : i32
            %max3A_361 = vector.broadcast %max3A_360 : i32 to vector<16xi32>
            %max3A_362 = arith.maxsi %sub3A_359, %max3A_361 : vector<16xi32>
            %convert_element_type3A_363 = arith.extui %and3A_356 : vector<16xi1> to vector<16xi32>
            %broadcast_in_dim3A_364 = arith.constant true
            %broadcast_in_dim3A_365 = vector.broadcast %broadcast_in_dim3A_364 : i1 to vector<16xi1>
            %masked_cumsum3A = tpu.scan <sum>, %convert_element_type3A_363 masked %broadcast_in_dim3A_365 : vector<16xi32>, vector<16xi1> -> vector<16xi32>
            %add3A_366 = arith.addi %scan3A_337, %masked_cumsum3A : vector<16xi32>
            %sub3A_367 = arith.constant 1 : i32
            %sub3A_368 = vector.broadcast %sub3A_367 : i32 to vector<16xi32>
            %sub3A_369 = arith.subi %add3A_366, %sub3A_368 : vector<16xi32>
            tpu.vector_store_idx %arg14[%broadcast_in_dim3A_330, %sub3A_369], %get3A_343 masked %and3A_356 : memref<8x360xf32, #tpu.memory_space<vmem>>[vector<16xi32>, vector<16xi32>], vector<16xf32>, vector<16xi1>
            %not3A_370 = arith.constant dense<true> : vector<16xi1>
            %not3A_371 = arith.xori %and3A_356, %not3A_370 : vector<16xi1>
            %and3A_372 = arith.andi %ge3A_346, %not3A_371 : vector<16xi1>
            %sub3A_373 = arith.constant 352 : i32
            %sub3A_374 = vector.broadcast %sub3A_373 : i32 to vector<16xi32>
            %sub3A_375 = arith.subi %sub3A_374, %scan3A_337 : vector<16xi32>
            %sub3A_376 = arith.subi %max3A_362, %masked_cumsum3A : vector<16xi32>
            %add3A_377 = arith.addi %sub3A_375, %sub3A_376 : vector<16xi32>
            %sub3A_378 = arith.constant 1 : i32
            %sub3A_379 = vector.broadcast %sub3A_378 : i32 to vector<16xi32>
            %sub3A_380 = arith.subi %add3A_377, %sub3A_379 : vector<16xi32>
            tpu.vector_store_idx %arg15[%sub3A_380], %get3A_343 masked %and3A_372 : memref<384xf32, #tpu.memory_space<vmem>>[vector<16xi32>], vector<16xf32>, vector<16xi1>
            %all_reduce_population_count3A = tpu.all_reduce %and3A_356 {dim = 0 : i64, kind = #tpu.reduction_kind<sum>} : vector<16xi1> -> vector<16xi32>
            %add3A_381 = arith.addi %scan3A_337, %all_reduce_population_count3A : vector<16xi32>
            %sub3A_382 = arith.constant 360 : i32
            %sub3A_383 = vector.broadcast %sub3A_382 : i32 to vector<16xi32>
            %sub3A_384 = arith.subi %sub3A_383, %add3A_381 : vector<16xi32>
            %reduce_max3A_385 = arith.constant true
            %reduce_max3A_386 = vector.broadcast %reduce_max3A_385 : i1 to vector<16xi1>
            %reduce_max3A_387 = arith.constant -2147483648 : i32
            %reduce_max3A_388 = vector.broadcast %reduce_max3A_387 : i32 to vector<16xi32>
            %reduce_max3A_389 = arith.xori %sub3A_384, %reduce_max3A_388 : vector<16xi32>
            %reduce_max3A_390 = tpu.scan <max>, %reduce_max3A_389 masked %reduce_max3A_386 : vector<16xi32>, vector<16xi1> -> vector<16xi32>
            %reduce_max3A_391 = arith.xori %reduce_max3A_390, %reduce_max3A_388 : vector<16xi32>
            %reduce_max3A_392 = vector.extract %reduce_max3A_391[15] : i32 from vector<16xi32>
            %gt3A = arith.constant 0 : i32
            %gt3A_393 = arith.cmpi sgt, %reduce_max3A_392, %gt3A : i32
            %convert_element_type3A_394 = arith.extui %gt3A_393 : i1 to i32
            %cond3A_395 = arith.constant 0 : i32
            %cond3A_396 = arith.cmpi ne, %convert_element_type3A_394, %cond3A_395 : i32
            scf.if %cond3A_396 {
              %scan3A_398 = arith.constant 0 : i32
              %scan3A_399 = arith.constant 0 : i32
              %scan3A_400 = arith.constant 23 : i32
              %scan3A_401 = arith.addi %scan3A_399, %scan3A_400 : i32
              %scan3A_402 = arith.constant 1 : i32
              scf.for %scan3A_404 = %scan3A_399 to %scan3A_401 step %scan3A_402  : i32 {
                %mul3A_405 = arith.constant 16 : i32
                %mul3A_406 = arith.muli %scan3A_404, %mul3A_405 : i32
                %get3A_407 = arith.index_cast %mul3A_406 : i32 to index
                %get3A_408 = tpu.vector_load %arg15[%get3A_407] {strides = array<i32>} : memref<384xf32, #tpu.memory_space<vmem>>, vector<16xf32>,
                %add3A_409 = vector.broadcast %mul3A_406 : i32 to vector<16xi32>
                %add3A_410 = arith.addi %add3A_409, %iota3A_329 : vector<16xi32>
                %add3A_411 = arith.addi %add3A_381, %add3A_410 : vector<16xi32>
                %min3A = arith.constant 359 : i32
                %min3A_412 = vector.broadcast %min3A : i32 to vector<16xi32>
                %min3A_413 = arith.minsi %add3A_411, %min3A_412 : vector<16xi32>
                %lt3A_414 = arith.cmpi slt, %add3A_410, %sub3A_384 : vector<16xi32>
                tpu.vector_store_idx %arg14[%broadcast_in_dim3A_330, %min3A_413], %get3A_408 masked %lt3A_414 : memref<8x360xf32, #tpu.memory_space<vmem>>[vector<16xi32>, vector<16xi32>], vector<16xf32>, vector<16xi1>
              }
              %scan3A_403 = arith.constant 23 : i32
            } else {
            }
            %scan3A_397 = arith.constant 0 : i32
            scf.yield %scan3A_397 : i32
          }
          %scan3A_306 = arith.constant 8 : i32
          %mul3A_307 = arith.constant 8 : i32
          %mul3A_308 = arith.muli %scan3A_299, %mul3A_307 : i32
          %add3A_309 = arith.addi %add3A_64, %mul3A_308 : i32
          %dma_start3A_310 = arith.constant 0 : i32
          %dma_start3A_311 = arith.constant 0 : i32
          %dma_start3A_312 = tpu.memref_slice %arg4[%dma_start3A_310, %add3A_309, %dma_start3A_311] : memref<1x16384x360xf32, #tpu.memory_space<hbm>> -> memref<1x8x360xf32, #tpu.memory_space<hbm>>
          %dma_start3A_313 = tpu.memref_squeeze %dma_start3A_312 : memref<1x8x360xf32, #tpu.memory_space<hbm>> -> memref<8x360xf32, #tpu.memory_space<hbm>>
          %dma_start3A_314 = arith.constant 0 : i32
          %dma_start3A_315 = tpu.memref_slice %arg4[%dma_start3A_310, %add3A_309, %dma_start3A_314] : memref<1x16384x360xf32, #tpu.memory_space<hbm>> -> memref<1x8x360xf32, #tpu.memory_space<hbm>>
          %dma_start3A_316 = tpu.memref_squeeze %dma_start3A_315 : memref<1x8x360xf32, #tpu.memory_space<hbm>> -> memref<8x360xf32, #tpu.memory_space<hbm>>
          tpu.enqueue_dma source(%arg14 : memref<8x360xf32, #tpu.memory_space<vmem>>) target(%dma_start3A_316 : memref<8x360xf32, #tpu.memory_space<hbm>>) target_semaphore(%arg24 : memref<!tpu.dma_semaphore, #tpu.memory_space<semaphore_mem>>)
          %dma_wait3A_317 = arith.constant 0 : i32
          %dma_wait3A_318 = arith.constant 0 : i32
          %dma_wait3A_319 = tpu.memref_slice %arg4[%dma_wait3A_317, %add3A_309, %dma_wait3A_318] : memref<1x16384x360xf32, #tpu.memory_space<hbm>> -> memref<1x8x360xf32, #tpu.memory_space<hbm>>
          %dma_wait3A_320 = tpu.memref_squeeze %dma_wait3A_319 : memref<1x8x360xf32, #tpu.memory_space<hbm>> -> memref<8x360xf32, #tpu.memory_space<hbm>>
          %dma_wait3A_321 = arith.constant 0 : i32
          %dma_wait3A_322 = tpu.memref_slice %arg4[%dma_wait3A_317, %add3A_309, %dma_wait3A_321] : memref<1x16384x360xf32, #tpu.memory_space<hbm>> -> memref<1x8x360xf32, #tpu.memory_space<hbm>>
          %dma_wait3A_323 = tpu.memref_squeeze %dma_wait3A_322 : memref<1x8x360xf32, #tpu.memory_space<hbm>> -> memref<8x360xf32, #tpu.memory_space<hbm>>
          tpu.wait_dma2 semaphore(%arg24 : memref<!tpu.dma_semaphore, #tpu.memory_space<semaphore_mem>>) src(%arg14 : memref<8x360xf32, #tpu.memory_space<vmem>>) dst(%dma_wait3A_323 : memref<8x360xf32, #tpu.memory_space<hbm>>)
        }
        %scan3A_298 = arith.constant 4 : i32
        tpu.enqueue_dma source(%arg10 : memref<32x360xf32, #tpu.memory_space<vmem>>) target(%arg5 : memref<32x360xf32, #tpu.memory_space<hbm>>) target_semaphore(%arg25 : memref<!tpu.dma_semaphore, #tpu.memory_space<semaphore_mem>>)
      } else {
      }
      %mul3A_113 = arith.constant 4 : i32
      %mul3A_114 = arith.muli %mul3A_113, %scan3A_57 : i32
      %add3A_115 = arith.constant 1 : i32
      %add3A_116 = arith.addi %mul3A_114, %add3A_115 : i32
      %mul3A_117 = arith.constant 32 : i32
      %mul3A_118 = arith.muli %add3A_116, %mul3A_117 : i32
      %add3A_119 = arith.addi %mul3A_2, %mul3A_118 : i32
      %ge3A_120 = arith.constant 3 : i32
      %ge3A_121 = arith.cmpi sge, %add3A_116, %ge3A_120 : i32
      %convert_element_type3A_122 = arith.extui %ge3A_121 : i1 to i32
      %cond3A_123 = arith.constant 0 : i32
      %cond3A_124 = arith.cmpi ne, %convert_element_type3A_122, %cond3A_123 : i32
      scf.if %cond3A_124 {
        %dma_wait3A_293 = arith.constant 0 : i32
        %dma_wait3A_294 = arith.constant 0 : i32
        %dma_wait3A_295 = arith.constant 0 : i32
        %dma_wait3A_296 = tpu.memref_slice %arg4[%dma_wait3A_293, %dma_wait3A_294, %dma_wait3A_295] : memref<1x16384x360xf32, #tpu.memory_space<hbm>> -> memref<1x32x360xf32, #tpu.memory_space<hbm>>
        %dma_wait3A_297 = tpu.memref_squeeze %dma_wait3A_296 : memref<1x32x360xf32, #tpu.memory_space<hbm>> -> memref<32x360xf32, #tpu.memory_space<hbm>>
        %dma_wait3A_298 = arith.constant 0 : i32
        %dma_wait3A_299 = arith.constant 0 : i32
        %dma_wait3A_300 = tpu.memref_slice %arg4[%dma_wait3A_293, %dma_wait3A_298, %dma_wait3A_299] : memref<1x16384x360xf32, #tpu.memory_space<hbm>> -> memref<1x32x360xf32, #tpu.memory_space<hbm>>
        %dma_wait3A_301 = tpu.memref_squeeze %dma_wait3A_300 : memref<1x32x360xf32, #tpu.memory_space<hbm>> -> memref<32x360xf32, #tpu.memory_space<hbm>>
        tpu.wait_dma2 semaphore(%arg25 : memref<!tpu.dma_semaphore, #tpu.memory_space<semaphore_mem>>) src(%arg10 : memref<32x360xf32, #tpu.memory_space<vmem>>) dst(%dma_wait3A_301 : memref<32x360xf32, #tpu.memory_space<hbm>>)
      } else {
      }
      %add3A_125 = arith.constant 1 : i32
      %add3A_126 = arith.addi %add3A_116, %add3A_125 : i32
      %lt3A_127 = arith.constant 16 : i32
      %lt3A_128 = arith.cmpi slt, %add3A_126, %lt3A_127 : i32
      %convert_element_type3A_129 = arith.extui %lt3A_128 : i1 to i32
      %cond3A_130 = arith.constant 0 : i32
      %cond3A_131 = arith.cmpi ne, %convert_element_type3A_129, %cond3A_130 : i32
      scf.if %cond3A_131 {
        %add3A_293 = arith.constant 1 : i32
        %add3A_294 = arith.addi %add3A_116, %add3A_293 : i32
        %mul3A_295 = arith.constant 32 : i32
        %mul3A_296 = arith.muli %add3A_294, %mul3A_295 : i32
        %add3A_297 = arith.addi %mul3A_2, %mul3A_296 : i32
        %dma_start3A_298 = arith.constant 0 : i32
        %dma_start3A_299 = arith.constant 0 : i32
        %dma_start3A_300 = tpu.memref_slice %arg2[%dma_start3A_298, %add3A_297, %dma_start3A_299] : memref<1x16384x360xf32, #tpu.memory_space<hbm>> -> memref<1x32x360xf32, #tpu.memory_space<hbm>>
        %dma_start3A_301 = tpu.memref_squeeze %dma_start3A_300 : memref<1x32x360xf32, #tpu.memory_space<hbm>> -> memref<32x360xf32, #tpu.memory_space<hbm>>
        %dma_start3A_302 = arith.constant 0 : i32
        %dma_start3A_303 = tpu.memref_slice %arg2[%dma_start3A_298, %add3A_297, %dma_start3A_302] : memref<1x16384x360xf32, #tpu.memory_space<hbm>> -> memref<1x32x360xf32, #tpu.memory_space<hbm>>
        %dma_start3A_304 = tpu.memref_squeeze %dma_start3A_303 : memref<1x32x360xf32, #tpu.memory_space<hbm>> -> memref<32x360xf32, #tpu.memory_space<hbm>>
        tpu.enqueue_dma source(%dma_start3A_304 : memref<32x360xf32, #tpu.memory_space<hbm>>) target(%arg12 : memref<32x360xf32, #tpu.memory_space<vmem>>) target_semaphore(%arg22 : memref<!tpu.dma_semaphore, #tpu.memory_space<semaphore_mem>>)
        %dma_start3A_305 = arith.constant 0 : i32
        %dma_start3A_306 = tpu.memref_slice %arg3[%add3A_297, %dma_start3A_305] : memref<16384x24xi32, #tpu.memory_space<hbm>> -> memref<32x24xi32, #tpu.memory_space<hbm>>
        %dma_start3A_307 = arith.constant 0 : i32
        %dma_start3A_308 = tpu.memref_slice %arg3[%add3A_297, %dma_start3A_307] : memref<16384x24xi32, #tpu.memory_space<hbm>> -> memref<32x24xi32, #tpu.memory_space<hbm>>
        tpu.enqueue_dma source(%dma_start3A_308 : memref<32x24xi32, #tpu.memory_space<hbm>>) target(%arg8 : memref<32x24xi32, #tpu.memory_space<vmem>>) target_semaphore(%arg18 : memref<!tpu.dma_semaphore, #tpu.memory_space<semaphore_mem>>)
      } else {
      }
      %dma_wait3A_132 = arith.constant 0 : i32
      %dma_wait3A_133 = arith.constant 0 : i32
      %dma_wait3A_134 = arith.constant 0 : i32
      %dma_wait3A_135 = tpu.memref_slice %arg2[%dma_wait3A_132, %dma_wait3A_133, %dma_wait3A_134] : memref<1x16384x360xf32, #tpu.memory_space<hbm>> -> memref<1x32x360xf32, #tpu.memory_space<hbm>>
      %dma_wait3A_136 = tpu.memref_squeeze %dma_wait3A_135 : memref<1x32x360xf32, #tpu.memory_space<hbm>> -> memref<32x360xf32, #tpu.memory_space<hbm>>
      %dma_wait3A_137 = arith.constant 0 : i32
      %dma_wait3A_138 = arith.constant 0 : i32
      %dma_wait3A_139 = tpu.memref_slice %arg2[%dma_wait3A_132, %dma_wait3A_137, %dma_wait3A_138] : memref<1x16384x360xf32, #tpu.memory_space<hbm>> -> memref<1x32x360xf32, #tpu.memory_space<hbm>>
      %dma_wait3A_140 = tpu.memref_squeeze %dma_wait3A_139 : memref<1x32x360xf32, #tpu.memory_space<hbm>> -> memref<32x360xf32, #tpu.memory_space<hbm>>
      tpu.wait_dma2 semaphore(%arg21 : memref<!tpu.dma_semaphore, #tpu.memory_space<semaphore_mem>>) src(%dma_wait3A_140 : memref<32x360xf32, #tpu.memory_space<hbm>>) dst(%arg11 : memref<32x360xf32, #tpu.memory_space<vmem>>)
      %dma_wait3A_141 = arith.constant 0 : i32
      %dma_wait3A_142 = arith.constant 0 : i32
      %dma_wait3A_143 = tpu.memref_slice %arg3[%dma_wait3A_141, %dma_wait3A_142] : memref<16384x24xi32, #tpu.memory_space<hbm>> -> memref<32x24xi32, #tpu.memory_space<hbm>>
      %dma_wait3A_144 = arith.constant 0 : i32
      %dma_wait3A_145 = arith.constant 0 : i32
      %dma_wait3A_146 = tpu.memref_slice %arg3[%dma_wait3A_144, %dma_wait3A_145] : memref<16384x24xi32, #tpu.memory_space<hbm>> -> memref<32x24xi32, #tpu.memory_space<hbm>>
      tpu.wait_dma2 semaphore(%arg17 : memref<!tpu.dma_semaphore, #tpu.memory_space<semaphore_mem>>) src(%dma_wait3A_146 : memref<32x24xi32, #tpu.memory_space<hbm>>) dst(%arg7 : memref<32x24xi32, #tpu.memory_space<vmem>>)
      %broadcast_in_dim3A_147 = arith.constant 0 : i32
      %broadcast_in_dim3A_148 = vector.broadcast %broadcast_in_dim3A_147 : i32 to vector<16xi32>
      %scan3A_149 = arith.constant 0 : i32
      %scan3A_150 = arith.constant 32 : i32
      %scan3A_151 = arith.addi %scan3A_149, %scan3A_150 : i32
      %scan3A_152 = arith.constant 1 : i32
      %scan3A_153 = scf.for %scan3A_293 = %scan3A_149 to %scan3A_151 step %scan3A_152 iter_args(%scan3A_294 = %broadcast_in_dim3A_148) -> (vector<16xi32>)  : i32 {
        %get3A = arith.index_cast %scan3A_293 : i32 to index
        %get3A_295 = arith.constant 0 : index
        %get3A_296 = tpu.vector_load %arg7[%get3A, %get3A_295] {strides = array<i32>} : memref<32x24xi32, #tpu.memory_space<vmem>>, vector<16xi32>,
        %xor3A = arith.xori %get3A_296, %broadcast_in_dim3A_3 : vector<16xi32>
        %get3A_297 = arith.index_cast %scan3A_293 : i32 to index
        %get3A_298 = arith.constant 8 : index
        %get3A_299 = tpu.vector_load %arg7[%get3A_297, %get3A_298] {strides = array<i32>} : memref<32x24xi32, #tpu.memory_space<vmem>>, vector<16xi32>,
        %xor3A_300 = arith.xori %get3A_299, %select_n3A_13 : vector<16xi32>
        %or3A = arith.ori %scan3A_294, %xor3A : vector<16xi32>
        %or3A_301 = arith.ori %or3A, %xor3A_300 : vector<16xi32>
        scf.yield %or3A_301 : vector<16xi32>
      }
      %scan3A_154 = arith.constant 32 : i32
      %reduce_max3A_155 = arith.constant true
      %reduce_max3A_156 = vector.broadcast %reduce_max3A_155 : i1 to vector<16xi1>
      %reduce_max3A_157 = arith.constant -2147483648 : i32
      %reduce_max3A_158 = vector.broadcast %reduce_max3A_157 : i32 to vector<16xi32>
      %reduce_max3A_159 = arith.xori %scan3A_153, %reduce_max3A_158 : vector<16xi32>
      %reduce_max3A_160 = tpu.scan <max>, %reduce_max3A_159 masked %reduce_max3A_156 : vector<16xi32>, vector<16xi1> -> vector<16xi32>
      %reduce_max3A_161 = arith.xori %reduce_max3A_160, %reduce_max3A_158 : vector<16xi32>
      %reduce_max3A_162 = vector.extract %reduce_max3A_161[15] : i32 from vector<16xi32>
      %eq3A_163 = arith.constant 0 : i32
      %eq3A_164 = arith.cmpi eq, %reduce_max3A_162, %eq3A_163 : i32
      %convert_element_type3A_165 = arith.extui %eq3A_164 : i1 to i32
      %cond3A_166 = arith.constant 0 : i32
      %cond3A_167 = arith.cmpi ne, %convert_element_type3A_165, %cond3A_166 : i32
      scf.if %cond3A_167 {
        %dma_start3A_293 = arith.constant 0 : i32
        %dma_start3A_294 = arith.constant 0 : i32
        %dma_start3A_295 = tpu.memref_slice %arg4[%dma_start3A_293, %add3A_119, %dma_start3A_294] : memref<1x16384x360xf32, #tpu.memory_space<hbm>> -> memref<1x32x360xf32, #tpu.memory_space<hbm>>
        %dma_start3A_296 = tpu.memref_squeeze %dma_start3A_295 : memref<1x32x360xf32, #tpu.memory_space<hbm>> -> memref<32x360xf32, #tpu.memory_space<hbm>>
        %dma_start3A_297 = arith.constant 0 : i32
        %dma_start3A_298 = tpu.memref_slice %arg4[%dma_start3A_293, %add3A_119, %dma_start3A_297] : memref<1x16384x360xf32, #tpu.memory_space<hbm>> -> memref<1x32x360xf32, #tpu.memory_space<hbm>>
        %dma_start3A_299 = tpu.memref_squeeze %dma_start3A_298 : memref<1x32x360xf32, #tpu.memory_space<hbm>> -> memref<32x360xf32, #tpu.memory_space<hbm>>
        tpu.enqueue_dma source(%arg11 : memref<32x360xf32, #tpu.memory_space<vmem>>) target(%dma_start3A_299 : memref<32x360xf32, #tpu.memory_space<hbm>>) target_semaphore(%arg25 : memref<!tpu.dma_semaphore, #tpu.memory_space<semaphore_mem>>)
      } else {
      }
      %not3A_168 = arith.constant true
      %not3A_169 = arith.xori %eq3A_164, %not3A_168 : i1
      %convert_element_type3A_170 = arith.extui %not3A_169 : i1 to i32
      %cond3A_171 = arith.constant 0 : i32
      %cond3A_172 = arith.cmpi ne, %convert_element_type3A_170, %cond3A_171 : i32
      scf.if %cond3A_172 {
        %scan3A_293 = arith.constant 0 : i32
        %scan3A_294 = arith.constant 0 : i32
        %scan3A_295 = arith.constant 4 : i32
        %scan3A_296 = arith.addi %scan3A_294, %scan3A_295 : i32
        %scan3A_297 = arith.constant 1 : i32
        scf.for %scan3A_299 = %scan3A_294 to %scan3A_296 step %scan3A_297  : i32 {
          %scan3A_300 = arith.constant 0 : i32
          %scan3A_301 = arith.constant 0 : i32
          %scan3A_302 = arith.constant 8 : i32
          %scan3A_303 = arith.addi %scan3A_301, %scan3A_302 : i32
          %scan3A_304 = arith.constant 1 : i32
          %scan3A_305 = scf.for %scan3A_324 = %scan3A_301 to %scan3A_303 step %scan3A_304 iter_args(%scan3A_325 = %scan3A_300) -> (i32)  : i32 {
            %mul3A_326 = arith.constant 8 : i32
            %mul3A_327 = arith.muli %scan3A_299, %mul3A_326 : i32
            %add3A_328 = arith.addi %mul3A_327, %scan3A_324 : i32
            %iota3A_329 = tpu.iota {dimensions = array<i32: 0>} : vector<16xi32>
            %broadcast_in_dim3A_330 = vector.broadcast %scan3A_324 : i32 to vector<16xi32>
            %broadcast_in_dim3A_331 = arith.constant 0 : i32
            %broadcast_in_dim3A_332 = vector.broadcast %broadcast_in_dim3A_331 : i32 to vector<16xi32>
            %scan3A_333 = arith.constant 0 : i32
            %scan3A_334 = arith.constant 22 : i32
            %scan3A_335 = arith.addi %scan3A_333, %scan3A_334 : i32
            %scan3A_336 = arith.constant 1 : i32
            %scan3A_337 = scf.for %scan3A_398 = %scan3A_333 to %scan3A_335 step %scan3A_336 iter_args(%scan3A_399 = %broadcast_in_dim3A_332) -> (vector<16xi32>)  : i32 {
              %mul3A_400 = arith.constant 16 : i32
              %mul3A_401 = arith.muli %scan3A_398, %mul3A_400 : i32
              %broadcast_in_dim3A_402 = vector.broadcast %add3A_328 : i32 to vector<16xi32>
              %broadcast_in_dim3A_403 = vector.broadcast %scan3A_398 : i32 to vector<16xi32>
              %gather3A_404 = tpu.vector_load_idx %arg7[%broadcast_in_dim3A_402, %broadcast_in_dim3A_403] : memref<32x24xi32, #tpu.memory_space<vmem>>[vector<16xi32>, vector<16xi32>], vector<16xi32>,
              %get3A_405 = arith.index_cast %add3A_328 : i32 to index
              %get3A_406 = arith.index_cast %mul3A_401 : i32 to index
              %get3A_407 = tpu.vector_load %arg11[%get3A_405, %get3A_406] {strides = array<i32>} : memref<32x360xf32, #tpu.memory_space<vmem>>, vector<16xf32>,
              %shift_right_arithmetic3A_408 = arith.shrsi %gather3A_404, %iota3A_329 : vector<16xi32>
              %and3A_409 = arith.constant 1 : i32
              %and3A_410 = vector.broadcast %and3A_409 : i32 to vector<16xi32>
              %and3A_411 = arith.andi %shift_right_arithmetic3A_408, %and3A_410 : vector<16xi32>
              %eq3A_412 = arith.constant 1 : i32
              %eq3A_413 = vector.broadcast %eq3A_412 : i32 to vector<16xi32>
              %eq3A_414 = arith.cmpi eq, %and3A_411, %eq3A_413 : vector<16xi32>
              %convert_element_type3A_415 = arith.extui %eq3A_414 : vector<16xi1> to vector<16xi32>
              %broadcast_in_dim3A_416 = arith.constant true
              %broadcast_in_dim3A_417 = vector.broadcast %broadcast_in_dim3A_416 : i1 to vector<16xi1>
              %masked_cumsum3A_418 = tpu.scan <sum>, %convert_element_type3A_415 masked %broadcast_in_dim3A_417 : vector<16xi32>, vector<16xi1> -> vector<16xi32>
              %add3A_419 = arith.addi %scan3A_399, %masked_cumsum3A_418 : vector<16xi32>
              %sub3A_420 = arith.constant 1 : i32
              %sub3A_421 = vector.broadcast %sub3A_420 : i32 to vector<16xi32>
              %sub3A_422 = arith.subi %add3A_419, %sub3A_421 : vector<16xi32>
              tpu.vector_store_idx %arg14[%broadcast_in_dim3A_330, %sub3A_422], %get3A_407 masked %eq3A_414 : memref<8x360xf32, #tpu.memory_space<vmem>>[vector<16xi32>, vector<16xi32>], vector<16xf32>, vector<16xi1>
              %sub3A_423 = vector.broadcast %mul3A_401 : i32 to vector<16xi32>
              %sub3A_424 = arith.subi %sub3A_423, %scan3A_399 : vector<16xi32>
              %add3A_425 = arith.constant 1 : i32
              %add3A_426 = vector.broadcast %add3A_425 : i32 to vector<16xi32>
              %add3A_427 = arith.addi %iota3A_329, %add3A_426 : vector<16xi32>
              %sub3A_428 = arith.subi %add3A_427, %masked_cumsum3A_418 : vector<16xi32>
              %add3A_429 = arith.addi %sub3A_424, %sub3A_428 : vector<16xi32>
              %sub3A_430 = arith.constant 1 : i32
              %sub3A_431 = vector.broadcast %sub3A_430 : i32 to vector<16xi32>
              %sub3A_432 = arith.subi %add3A_429, %sub3A_431 : vector<16xi32>
              %not3A_433 = arith.constant dense<true> : vector<16xi1>
              %not3A_434 = arith.xori %eq3A_414, %not3A_433 : vector<16xi1>
              tpu.vector_store_idx %arg15[%sub3A_432], %get3A_407 masked %not3A_434 : memref<384xf32, #tpu.memory_space<vmem>>[vector<16xi32>], vector<16xf32>, vector<16xi1>
              %all_reduce_population_count3A_435 = tpu.all_reduce %eq3A_414 {dim = 0 : i64, kind = #tpu.reduction_kind<sum>} : vector<16xi1> -> vector<16xi32>
              %add3A_436 = arith.addi %scan3A_399, %all_reduce_population_count3A_435 : vector<16xi32>
              scf.yield %add3A_436 : vector<16xi32>
            }
            %scan3A_338 = arith.constant 22 : i32
            %broadcast_in_dim3A_339 = vector.broadcast %add3A_328 : i32 to vector<16xi32>
            %broadcast_in_dim3A_340 = arith.constant 22 : i32
            %broadcast_in_dim3A_341 = vector.broadcast %broadcast_in_dim3A_340 : i32 to vector<16xi32>
            %gather3A = tpu.vector_load_idx %arg7[%broadcast_in_dim3A_339, %broadcast_in_dim3A_341] : memref<32x24xi32, #tpu.memory_space<vmem>>[vector<16xi32>, vector<16xi32>], vector<16xi32>,
            %get3A = arith.index_cast %add3A_328 : i32 to index
            %get3A_342 = arith.constant 344 : index
            %get3A_343 = tpu.vector_load %arg11[%get3A, %get3A_342] {strides = array<i32>} : memref<32x360xf32, #tpu.memory_space<vmem>>, vector<16xf32>,
            %ge3A_344 = arith.constant 8 : i32
            %ge3A_345 = vector.broadcast %ge3A_344 : i32 to vector<16xi32>
            %ge3A_346 = arith.cmpi sge, %iota3A_329, %ge3A_345 : vector<16xi32>
            %sub3A = arith.constant 8 : i32
            %sub3A_347 = vector.broadcast %sub3A : i32 to vector<16xi32>
            %sub3A_348 = arith.subi %iota3A_329, %sub3A_347 : vector<16xi32>
            %max3A = arith.constant 0 : i32
            %max3A_349 = vector.broadcast %max3A : i32 to vector<16xi32>
            %max3A_350 = arith.maxsi %sub3A_348, %max3A_349 : vector<16xi32>
            %shift_right_arithmetic3A = arith.shrsi %gather3A, %max3A_350 : vector<16xi32>
            %and3A = arith.constant 1 : i32
            %and3A_351 = vector.broadcast %and3A : i32 to vector<16xi32>
            %and3A_352 = arith.andi %shift_right_arithmetic3A, %and3A_351 : vector<16xi32>
            %eq3A_353 = arith.constant 1 : i32
            %eq3A_354 = vector.broadcast %eq3A_353 : i32 to vector<16xi32>
            %eq3A_355 = arith.cmpi eq, %and3A_352, %eq3A_354 : vector<16xi32>
            %and3A_356 = arith.andi %eq3A_355, %ge3A_346 : vector<16xi1>
            %sub3A_357 = arith.constant 7 : i32
            %sub3A_358 = vector.broadcast %sub3A_357 : i32 to vector<16xi32>
            %sub3A_359 = arith.subi %iota3A_329, %sub3A_358 : vector<16xi32>
            %max3A_360 = arith.constant 0 : i32
            %max3A_361 = vector.broadcast %max3A_360 : i32 to vector<16xi32>
            %max3A_362 = arith.maxsi %sub3A_359, %max3A_361 : vector<16xi32>
            %convert_element_type3A_363 = arith.extui %and3A_356 : vector<16xi1> to vector<16xi32>
            %broadcast_in_dim3A_364 = arith.constant true
            %broadcast_in_dim3A_365 = vector.broadcast %broadcast_in_dim3A_364 : i1 to vector<16xi1>
            %masked_cumsum3A = tpu.scan <sum>, %convert_element_type3A_363 masked %broadcast_in_dim3A_365 : vector<16xi32>, vector<16xi1> -> vector<16xi32>
            %add3A_366 = arith.addi %scan3A_337, %masked_cumsum3A : vector<16xi32>
            %sub3A_367 = arith.constant 1 : i32
            %sub3A_368 = vector.broadcast %sub3A_367 : i32 to vector<16xi32>
            %sub3A_369 = arith.subi %add3A_366, %sub3A_368 : vector<16xi32>
            tpu.vector_store_idx %arg14[%broadcast_in_dim3A_330, %sub3A_369], %get3A_343 masked %and3A_356 : memref<8x360xf32, #tpu.memory_space<vmem>>[vector<16xi32>, vector<16xi32>], vector<16xf32>, vector<16xi1>
            %not3A_370 = arith.constant dense<true> : vector<16xi1>
            %not3A_371 = arith.xori %and3A_356, %not3A_370 : vector<16xi1>
            %and3A_372 = arith.andi %ge3A_346, %not3A_371 : vector<16xi1>
            %sub3A_373 = arith.constant 352 : i32
            %sub3A_374 = vector.broadcast %sub3A_373 : i32 to vector<16xi32>
            %sub3A_375 = arith.subi %sub3A_374, %scan3A_337 : vector<16xi32>
            %sub3A_376 = arith.subi %max3A_362, %masked_cumsum3A : vector<16xi32>
            %add3A_377 = arith.addi %sub3A_375, %sub3A_376 : vector<16xi32>
            %sub3A_378 = arith.constant 1 : i32
            %sub3A_379 = vector.broadcast %sub3A_378 : i32 to vector<16xi32>
            %sub3A_380 = arith.subi %add3A_377, %sub3A_379 : vector<16xi32>
            tpu.vector_store_idx %arg15[%sub3A_380], %get3A_343 masked %and3A_372 : memref<384xf32, #tpu.memory_space<vmem>>[vector<16xi32>], vector<16xf32>, vector<16xi1>
            %all_reduce_population_count3A = tpu.all_reduce %and3A_356 {dim = 0 : i64, kind = #tpu.reduction_kind<sum>} : vector<16xi1> -> vector<16xi32>
            %add3A_381 = arith.addi %scan3A_337, %all_reduce_population_count3A : vector<16xi32>
            %sub3A_382 = arith.constant 360 : i32
            %sub3A_383 = vector.broadcast %sub3A_382 : i32 to vector<16xi32>
            %sub3A_384 = arith.subi %sub3A_383, %add3A_381 : vector<16xi32>
            %reduce_max3A_385 = arith.constant true
            %reduce_max3A_386 = vector.broadcast %reduce_max3A_385 : i1 to vector<16xi1>
            %reduce_max3A_387 = arith.constant -2147483648 : i32
            %reduce_max3A_388 = vector.broadcast %reduce_max3A_387 : i32 to vector<16xi32>
            %reduce_max3A_389 = arith.xori %sub3A_384, %reduce_max3A_388 : vector<16xi32>
            %reduce_max3A_390 = tpu.scan <max>, %reduce_max3A_389 masked %reduce_max3A_386 : vector<16xi32>, vector<16xi1> -> vector<16xi32>
            %reduce_max3A_391 = arith.xori %reduce_max3A_390, %reduce_max3A_388 : vector<16xi32>
            %reduce_max3A_392 = vector.extract %reduce_max3A_391[15] : i32 from vector<16xi32>
            %gt3A = arith.constant 0 : i32
            %gt3A_393 = arith.cmpi sgt, %reduce_max3A_392, %gt3A : i32
            %convert_element_type3A_394 = arith.extui %gt3A_393 : i1 to i32
            %cond3A_395 = arith.constant 0 : i32
            %cond3A_396 = arith.cmpi ne, %convert_element_type3A_394, %cond3A_395 : i32
            scf.if %cond3A_396 {
              %scan3A_398 = arith.constant 0 : i32
              %scan3A_399 = arith.constant 0 : i32
              %scan3A_400 = arith.constant 23 : i32
              %scan3A_401 = arith.addi %scan3A_399, %scan3A_400 : i32
              %scan3A_402 = arith.constant 1 : i32
              scf.for %scan3A_404 = %scan3A_399 to %scan3A_401 step %scan3A_402  : i32 {
                %mul3A_405 = arith.constant 16 : i32
                %mul3A_406 = arith.muli %scan3A_404, %mul3A_405 : i32
                %get3A_407 = arith.index_cast %mul3A_406 : i32 to index
                %get3A_408 = tpu.vector_load %arg15[%get3A_407] {strides = array<i32>} : memref<384xf32, #tpu.memory_space<vmem>>, vector<16xf32>,
                %add3A_409 = vector.broadcast %mul3A_406 : i32 to vector<16xi32>
                %add3A_410 = arith.addi %add3A_409, %iota3A_329 : vector<16xi32>
                %add3A_411 = arith.addi %add3A_381, %add3A_410 : vector<16xi32>
                %min3A = arith.constant 359 : i32
                %min3A_412 = vector.broadcast %min3A : i32 to vector<16xi32>
                %min3A_413 = arith.minsi %add3A_411, %min3A_412 : vector<16xi32>
                %lt3A_414 = arith.cmpi slt, %add3A_410, %sub3A_384 : vector<16xi32>
                tpu.vector_store_idx %arg14[%broadcast_in_dim3A_330, %min3A_413], %get3A_408 masked %lt3A_414 : memref<8x360xf32, #tpu.memory_space<vmem>>[vector<16xi32>, vector<16xi32>], vector<16xf32>, vector<16xi1>
              }
              %scan3A_403 = arith.constant 23 : i32
            } else {
            }
            %scan3A_397 = arith.constant 0 : i32
            scf.yield %scan3A_397 : i32
          }
          %scan3A_306 = arith.constant 8 : i32
          %mul3A_307 = arith.constant 8 : i32
          %mul3A_308 = arith.muli %scan3A_299, %mul3A_307 : i32
          %add3A_309 = arith.addi %add3A_119, %mul3A_308 : i32
          %dma_start3A_310 = arith.constant 0 : i32
          %dma_start3A_311 = arith.constant 0 : i32
          %dma_start3A_312 = tpu.memref_slice %arg4[%dma_start3A_310, %add3A_309, %dma_start3A_311] : memref<1x16384x360xf32, #tpu.memory_space<hbm>> -> memref<1x8x360xf32, #tpu.memory_space<hbm>>
          %dma_start3A_313 = tpu.memref_squeeze %dma_start3A_312 : memref<1x8x360xf32, #tpu.memory_space<hbm>> -> memref<8x360xf32, #tpu.memory_space<hbm>>
          %dma_start3A_314 = arith.constant 0 : i32
          %dma_start3A_315 = tpu.memref_slice %arg4[%dma_start3A_310, %add3A_309, %dma_start3A_314] : memref<1x16384x360xf32, #tpu.memory_space<hbm>> -> memref<1x8x360xf32, #tpu.memory_space<hbm>>
          %dma_start3A_316 = tpu.memref_squeeze %dma_start3A_315 : memref<1x8x360xf32, #tpu.memory_space<hbm>> -> memref<8x360xf32, #tpu.memory_space<hbm>>
          tpu.enqueue_dma source(%arg14 : memref<8x360xf32, #tpu.memory_space<vmem>>) target(%dma_start3A_316 : memref<8x360xf32, #tpu.memory_space<hbm>>) target_semaphore(%arg24 : memref<!tpu.dma_semaphore, #tpu.memory_space<semaphore_mem>>)
          %dma_wait3A_317 = arith.constant 0 : i32
          %dma_wait3A_318 = arith.constant 0 : i32
          %dma_wait3A_319 = tpu.memref_slice %arg4[%dma_wait3A_317, %add3A_309, %dma_wait3A_318] : memref<1x16384x360xf32, #tpu.memory_space<hbm>> -> memref<1x8x360xf32, #tpu.memory_space<hbm>>
          %dma_wait3A_320 = tpu.memref_squeeze %dma_wait3A_319 : memref<1x8x360xf32, #tpu.memory_space<hbm>> -> memref<8x360xf32, #tpu.memory_space<hbm>>
          %dma_wait3A_321 = arith.constant 0 : i32
          %dma_wait3A_322 = tpu.memref_slice %arg4[%dma_wait3A_317, %add3A_309, %dma_wait3A_321] : memref<1x16384x360xf32, #tpu.memory_space<hbm>> -> memref<1x8x360xf32, #tpu.memory_space<hbm>>
          %dma_wait3A_323 = tpu.memref_squeeze %dma_wait3A_322 : memref<1x8x360xf32, #tpu.memory_space<hbm>> -> memref<8x360xf32, #tpu.memory_space<hbm>>
          tpu.wait_dma2 semaphore(%arg24 : memref<!tpu.dma_semaphore, #tpu.memory_space<semaphore_mem>>) src(%arg14 : memref<8x360xf32, #tpu.memory_space<vmem>>) dst(%dma_wait3A_323 : memref<8x360xf32, #tpu.memory_space<hbm>>)
        }
        %scan3A_298 = arith.constant 4 : i32
        tpu.enqueue_dma source(%arg11 : memref<32x360xf32, #tpu.memory_space<vmem>>) target(%arg5 : memref<32x360xf32, #tpu.memory_space<hbm>>) target_semaphore(%arg25 : memref<!tpu.dma_semaphore, #tpu.memory_space<semaphore_mem>>)
      } else {
      }
      %mul3A_173 = arith.constant 4 : i32
      %mul3A_174 = arith.muli %mul3A_173, %scan3A_57 : i32
      %add3A_175 = arith.constant 2 : i32
      %add3A_176 = arith.addi %mul3A_174, %add3A_175 : i32
      %mul3A_177 = arith.constant 32 : i32
      %mul3A_178 = arith.muli %add3A_176, %mul3A_177 : i32
      %add3A_179 = arith.addi %mul3A_2, %mul3A_178 : i32
      %ge3A_180 = arith.constant 3 : i32
      %ge3A_181 = arith.cmpi sge, %add3A_176, %ge3A_180 : i32
      %convert_element_type3A_182 = arith.extui %ge3A_181 : i1 to i32
      %cond3A_183 = arith.constant 0 : i32
      %cond3A_184 = arith.cmpi ne, %convert_element_type3A_182, %cond3A_183 : i32
      scf.if %cond3A_184 {
        %dma_wait3A_293 = arith.constant 0 : i32
        %dma_wait3A_294 = arith.constant 0 : i32
        %dma_wait3A_295 = arith.constant 0 : i32
        %dma_wait3A_296 = tpu.memref_slice %arg4[%dma_wait3A_293, %dma_wait3A_294, %dma_wait3A_295] : memref<1x16384x360xf32, #tpu.memory_space<hbm>> -> memref<1x32x360xf32, #tpu.memory_space<hbm>>
        %dma_wait3A_297 = tpu.memref_squeeze %dma_wait3A_296 : memref<1x32x360xf32, #tpu.memory_space<hbm>> -> memref<32x360xf32, #tpu.memory_space<hbm>>
        %dma_wait3A_298 = arith.constant 0 : i32
        %dma_wait3A_299 = arith.constant 0 : i32
        %dma_wait3A_300 = tpu.memref_slice %arg4[%dma_wait3A_293, %dma_wait3A_298, %dma_wait3A_299] : memref<1x16384x360xf32, #tpu.memory_space<hbm>> -> memref<1x32x360xf32, #tpu.memory_space<hbm>>
        %dma_wait3A_301 = tpu.memref_squeeze %dma_wait3A_300 : memref<1x32x360xf32, #tpu.memory_space<hbm>> -> memref<32x360xf32, #tpu.memory_space<hbm>>
        tpu.wait_dma2 semaphore(%arg25 : memref<!tpu.dma_semaphore, #tpu.memory_space<semaphore_mem>>) src(%arg10 : memref<32x360xf32, #tpu.memory_space<vmem>>) dst(%dma_wait3A_301 : memref<32x360xf32, #tpu.memory_space<hbm>>)
      } else {
      }
      %add3A_185 = arith.constant 1 : i32
      %add3A_186 = arith.addi %add3A_176, %add3A_185 : i32
      %lt3A_187 = arith.constant 16 : i32
      %lt3A_188 = arith.cmpi slt, %add3A_186, %lt3A_187 : i32
      %convert_element_type3A_189 = arith.extui %lt3A_188 : i1 to i32
      %cond3A_190 = arith.constant 0 : i32
      %cond3A_191 = arith.cmpi ne, %convert_element_type3A_189, %cond3A_190 : i32
      scf.if %cond3A_191 {
        %add3A_293 = arith.constant 1 : i32
        %add3A_294 = arith.addi %add3A_176, %add3A_293 : i32
        %mul3A_295 = arith.constant 32 : i32
        %mul3A_296 = arith.muli %add3A_294, %mul3A_295 : i32
        %add3A_297 = arith.addi %mul3A_2, %mul3A_296 : i32
        %dma_start3A_298 = arith.constant 0 : i32
        %dma_start3A_299 = arith.constant 0 : i32
        %dma_start3A_300 = tpu.memref_slice %arg2[%dma_start3A_298, %add3A_297, %dma_start3A_299] : memref<1x16384x360xf32, #tpu.memory_space<hbm>> -> memref<1x32x360xf32, #tpu.memory_space<hbm>>
        %dma_start3A_301 = tpu.memref_squeeze %dma_start3A_300 : memref<1x32x360xf32, #tpu.memory_space<hbm>> -> memref<32x360xf32, #tpu.memory_space<hbm>>
        %dma_start3A_302 = arith.constant 0 : i32
        %dma_start3A_303 = tpu.memref_slice %arg2[%dma_start3A_298, %add3A_297, %dma_start3A_302] : memref<1x16384x360xf32, #tpu.memory_space<hbm>> -> memref<1x32x360xf32, #tpu.memory_space<hbm>>
        %dma_start3A_304 = tpu.memref_squeeze %dma_start3A_303 : memref<1x32x360xf32, #tpu.memory_space<hbm>> -> memref<32x360xf32, #tpu.memory_space<hbm>>
        tpu.enqueue_dma source(%dma_start3A_304 : memref<32x360xf32, #tpu.memory_space<hbm>>) target(%arg13 : memref<32x360xf32, #tpu.memory_space<vmem>>) target_semaphore(%arg23 : memref<!tpu.dma_semaphore, #tpu.memory_space<semaphore_mem>>)
        %dma_start3A_305 = arith.constant 0 : i32
        %dma_start3A_306 = tpu.memref_slice %arg3[%add3A_297, %dma_start3A_305] : memref<16384x24xi32, #tpu.memory_space<hbm>> -> memref<32x24xi32, #tpu.memory_space<hbm>>
        %dma_start3A_307 = arith.constant 0 : i32
        %dma_start3A_308 = tpu.memref_slice %arg3[%add3A_297, %dma_start3A_307] : memref<16384x24xi32, #tpu.memory_space<hbm>> -> memref<32x24xi32, #tpu.memory_space<hbm>>
        tpu.enqueue_dma source(%dma_start3A_308 : memref<32x24xi32, #tpu.memory_space<hbm>>) target(%arg9 : memref<32x24xi32, #tpu.memory_space<vmem>>) target_semaphore(%arg19 : memref<!tpu.dma_semaphore, #tpu.memory_space<semaphore_mem>>)
      } else {
      }
      %dma_wait3A_192 = arith.constant 0 : i32
      %dma_wait3A_193 = arith.constant 0 : i32
      %dma_wait3A_194 = arith.constant 0 : i32
      %dma_wait3A_195 = tpu.memref_slice %arg2[%dma_wait3A_192, %dma_wait3A_193, %dma_wait3A_194] : memref<1x16384x360xf32, #tpu.memory_space<hbm>> -> memref<1x32x360xf32, #tpu.memory_space<hbm>>
      %dma_wait3A_196 = tpu.memref_squeeze %dma_wait3A_195 : memref<1x32x360xf32, #tpu.memory_space<hbm>> -> memref<32x360xf32, #tpu.memory_space<hbm>>
      %dma_wait3A_197 = arith.constant 0 : i32
      %dma_wait3A_198 = arith.constant 0 : i32
      %dma_wait3A_199 = tpu.memref_slice %arg2[%dma_wait3A_192, %dma_wait3A_197, %dma_wait3A_198] : memref<1x16384x360xf32, #tpu.memory_space<hbm>> -> memref<1x32x360xf32, #tpu.memory_space<hbm>>
      %dma_wait3A_200 = tpu.memref_squeeze %dma_wait3A_199 : memref<1x32x360xf32, #tpu.memory_space<hbm>> -> memref<32x360xf32, #tpu.memory_space<hbm>>
      tpu.wait_dma2 semaphore(%arg22 : memref<!tpu.dma_semaphore, #tpu.memory_space<semaphore_mem>>) src(%dma_wait3A_200 : memref<32x360xf32, #tpu.memory_space<hbm>>) dst(%arg12 : memref<32x360xf32, #tpu.memory_space<vmem>>)
      %dma_wait3A_201 = arith.constant 0 : i32
      %dma_wait3A_202 = arith.constant 0 : i32
      %dma_wait3A_203 = tpu.memref_slice %arg3[%dma_wait3A_201, %dma_wait3A_202] : memref<16384x24xi32, #tpu.memory_space<hbm>> -> memref<32x24xi32, #tpu.memory_space<hbm>>
      %dma_wait3A_204 = arith.constant 0 : i32
      %dma_wait3A_205 = arith.constant 0 : i32
      %dma_wait3A_206 = tpu.memref_slice %arg3[%dma_wait3A_204, %dma_wait3A_205] : memref<16384x24xi32, #tpu.memory_space<hbm>> -> memref<32x24xi32, #tpu.memory_space<hbm>>
      tpu.wait_dma2 semaphore(%arg18 : memref<!tpu.dma_semaphore, #tpu.memory_space<semaphore_mem>>) src(%dma_wait3A_206 : memref<32x24xi32, #tpu.memory_space<hbm>>) dst(%arg8 : memref<32x24xi32, #tpu.memory_space<vmem>>)
      %broadcast_in_dim3A_207 = arith.constant 0 : i32
      %broadcast_in_dim3A_208 = vector.broadcast %broadcast_in_dim3A_207 : i32 to vector<16xi32>
      %scan3A_209 = arith.constant 0 : i32
      %scan3A_210 = arith.constant 32 : i32
      %scan3A_211 = arith.addi %scan3A_209, %scan3A_210 : i32
      %scan3A_212 = arith.constant 1 : i32
      %scan3A_213 = scf.for %scan3A_293 = %scan3A_209 to %scan3A_211 step %scan3A_212 iter_args(%scan3A_294 = %broadcast_in_dim3A_208) -> (vector<16xi32>)  : i32 {
        %get3A = arith.index_cast %scan3A_293 : i32 to index
        %get3A_295 = arith.constant 0 : index
        %get3A_296 = tpu.vector_load %arg8[%get3A, %get3A_295] {strides = array<i32>} : memref<32x24xi32, #tpu.memory_space<vmem>>, vector<16xi32>,
        %xor3A = arith.xori %get3A_296, %broadcast_in_dim3A_3 : vector<16xi32>
        %get3A_297 = arith.index_cast %scan3A_293 : i32 to index
        %get3A_298 = arith.constant 8 : index
        %get3A_299 = tpu.vector_load %arg8[%get3A_297, %get3A_298] {strides = array<i32>} : memref<32x24xi32, #tpu.memory_space<vmem>>, vector<16xi32>,
        %xor3A_300 = arith.xori %get3A_299, %select_n3A_13 : vector<16xi32>
        %or3A = arith.ori %scan3A_294, %xor3A : vector<16xi32>
        %or3A_301 = arith.ori %or3A, %xor3A_300 : vector<16xi32>
        scf.yield %or3A_301 : vector<16xi32>
      }
      %scan3A_214 = arith.constant 32 : i32
      %reduce_max3A_215 = arith.constant true
      %reduce_max3A_216 = vector.broadcast %reduce_max3A_215 : i1 to vector<16xi1>
      %reduce_max3A_217 = arith.constant -2147483648 : i32
      %reduce_max3A_218 = vector.broadcast %reduce_max3A_217 : i32 to vector<16xi32>
      %reduce_max3A_219 = arith.xori %scan3A_213, %reduce_max3A_218 : vector<16xi32>
      %reduce_max3A_220 = tpu.scan <max>, %reduce_max3A_219 masked %reduce_max3A_216 : vector<16xi32>, vector<16xi1> -> vector<16xi32>
      %reduce_max3A_221 = arith.xori %reduce_max3A_220, %reduce_max3A_218 : vector<16xi32>
      %reduce_max3A_222 = vector.extract %reduce_max3A_221[15] : i32 from vector<16xi32>
      %eq3A_223 = arith.constant 0 : i32
      %eq3A_224 = arith.cmpi eq, %reduce_max3A_222, %eq3A_223 : i32
      %convert_element_type3A_225 = arith.extui %eq3A_224 : i1 to i32
      %cond3A_226 = arith.constant 0 : i32
      %cond3A_227 = arith.cmpi ne, %convert_element_type3A_225, %cond3A_226 : i32
      scf.if %cond3A_227 {
        %dma_start3A_293 = arith.constant 0 : i32
        %dma_start3A_294 = arith.constant 0 : i32
        %dma_start3A_295 = tpu.memref_slice %arg4[%dma_start3A_293, %add3A_179, %dma_start3A_294] : memref<1x16384x360xf32, #tpu.memory_space<hbm>> -> memref<1x32x360xf32, #tpu.memory_space<hbm>>
        %dma_start3A_296 = tpu.memref_squeeze %dma_start3A_295 : memref<1x32x360xf32, #tpu.memory_space<hbm>> -> memref<32x360xf32, #tpu.memory_space<hbm>>
        %dma_start3A_297 = arith.constant 0 : i32
        %dma_start3A_298 = tpu.memref_slice %arg4[%dma_start3A_293, %add3A_179, %dma_start3A_297] : memref<1x16384x360xf32, #tpu.memory_space<hbm>> -> memref<1x32x360xf32, #tpu.memory_space<hbm>>
        %dma_start3A_299 = tpu.memref_squeeze %dma_start3A_298 : memref<1x32x360xf32, #tpu.memory_space<hbm>> -> memref<32x360xf32, #tpu.memory_space<hbm>>
        tpu.enqueue_dma source(%arg12 : memref<32x360xf32, #tpu.memory_space<vmem>>) target(%dma_start3A_299 : memref<32x360xf32, #tpu.memory_space<hbm>>) target_semaphore(%arg25 : memref<!tpu.dma_semaphore, #tpu.memory_space<semaphore_mem>>)
      } else {
      }
      %not3A_228 = arith.constant true
      %not3A_229 = arith.xori %eq3A_224, %not3A_228 : i1
      %convert_element_type3A_230 = arith.extui %not3A_229 : i1 to i32
      %cond3A_231 = arith.constant 0 : i32
      %cond3A_232 = arith.cmpi ne, %convert_element_type3A_230, %cond3A_231 : i32
      scf.if %cond3A_232 {
        %scan3A_293 = arith.constant 0 : i32
        %scan3A_294 = arith.constant 0 : i32
        %scan3A_295 = arith.constant 4 : i32
        %scan3A_296 = arith.addi %scan3A_294, %scan3A_295 : i32
        %scan3A_297 = arith.constant 1 : i32
        scf.for %scan3A_299 = %scan3A_294 to %scan3A_296 step %scan3A_297  : i32 {
          %scan3A_300 = arith.constant 0 : i32
          %scan3A_301 = arith.constant 0 : i32
          %scan3A_302 = arith.constant 8 : i32
          %scan3A_303 = arith.addi %scan3A_301, %scan3A_302 : i32
          %scan3A_304 = arith.constant 1 : i32
          %scan3A_305 = scf.for %scan3A_324 = %scan3A_301 to %scan3A_303 step %scan3A_304 iter_args(%scan3A_325 = %scan3A_300) -> (i32)  : i32 {
            %mul3A_326 = arith.constant 8 : i32
            %mul3A_327 = arith.muli %scan3A_299, %mul3A_326 : i32
            %add3A_328 = arith.addi %mul3A_327, %scan3A_324 : i32
            %iota3A_329 = tpu.iota {dimensions = array<i32: 0>} : vector<16xi32>
            %broadcast_in_dim3A_330 = vector.broadcast %scan3A_324 : i32 to vector<16xi32>
            %broadcast_in_dim3A_331 = arith.constant 0 : i32
            %broadcast_in_dim3A_332 = vector.broadcast %broadcast_in_dim3A_331 : i32 to vector<16xi32>
            %scan3A_333 = arith.constant 0 : i32
            %scan3A_334 = arith.constant 22 : i32
            %scan3A_335 = arith.addi %scan3A_333, %scan3A_334 : i32
            %scan3A_336 = arith.constant 1 : i32
            %scan3A_337 = scf.for %scan3A_398 = %scan3A_333 to %scan3A_335 step %scan3A_336 iter_args(%scan3A_399 = %broadcast_in_dim3A_332) -> (vector<16xi32>)  : i32 {
              %mul3A_400 = arith.constant 16 : i32
              %mul3A_401 = arith.muli %scan3A_398, %mul3A_400 : i32
              %broadcast_in_dim3A_402 = vector.broadcast %add3A_328 : i32 to vector<16xi32>
              %broadcast_in_dim3A_403 = vector.broadcast %scan3A_398 : i32 to vector<16xi32>
              %gather3A_404 = tpu.vector_load_idx %arg8[%broadcast_in_dim3A_402, %broadcast_in_dim3A_403] : memref<32x24xi32, #tpu.memory_space<vmem>>[vector<16xi32>, vector<16xi32>], vector<16xi32>,
              %get3A_405 = arith.index_cast %add3A_328 : i32 to index
              %get3A_406 = arith.index_cast %mul3A_401 : i32 to index
              %get3A_407 = tpu.vector_load %arg12[%get3A_405, %get3A_406] {strides = array<i32>} : memref<32x360xf32, #tpu.memory_space<vmem>>, vector<16xf32>,
              %shift_right_arithmetic3A_408 = arith.shrsi %gather3A_404, %iota3A_329 : vector<16xi32>
              %and3A_409 = arith.constant 1 : i32
              %and3A_410 = vector.broadcast %and3A_409 : i32 to vector<16xi32>
              %and3A_411 = arith.andi %shift_right_arithmetic3A_408, %and3A_410 : vector<16xi32>
              %eq3A_412 = arith.constant 1 : i32
              %eq3A_413 = vector.broadcast %eq3A_412 : i32 to vector<16xi32>
              %eq3A_414 = arith.cmpi eq, %and3A_411, %eq3A_413 : vector<16xi32>
              %convert_element_type3A_415 = arith.extui %eq3A_414 : vector<16xi1> to vector<16xi32>
              %broadcast_in_dim3A_416 = arith.constant true
              %broadcast_in_dim3A_417 = vector.broadcast %broadcast_in_dim3A_416 : i1 to vector<16xi1>
              %masked_cumsum3A_418 = tpu.scan <sum>, %convert_element_type3A_415 masked %broadcast_in_dim3A_417 : vector<16xi32>, vector<16xi1> -> vector<16xi32>
              %add3A_419 = arith.addi %scan3A_399, %masked_cumsum3A_418 : vector<16xi32>
              %sub3A_420 = arith.constant 1 : i32
              %sub3A_421 = vector.broadcast %sub3A_420 : i32 to vector<16xi32>
              %sub3A_422 = arith.subi %add3A_419, %sub3A_421 : vector<16xi32>
              tpu.vector_store_idx %arg14[%broadcast_in_dim3A_330, %sub3A_422], %get3A_407 masked %eq3A_414 : memref<8x360xf32, #tpu.memory_space<vmem>>[vector<16xi32>, vector<16xi32>], vector<16xf32>, vector<16xi1>
              %sub3A_423 = vector.broadcast %mul3A_401 : i32 to vector<16xi32>
              %sub3A_424 = arith.subi %sub3A_423, %scan3A_399 : vector<16xi32>
              %add3A_425 = arith.constant 1 : i32
              %add3A_426 = vector.broadcast %add3A_425 : i32 to vector<16xi32>
              %add3A_427 = arith.addi %iota3A_329, %add3A_426 : vector<16xi32>
              %sub3A_428 = arith.subi %add3A_427, %masked_cumsum3A_418 : vector<16xi32>
              %add3A_429 = arith.addi %sub3A_424, %sub3A_428 : vector<16xi32>
              %sub3A_430 = arith.constant 1 : i32
              %sub3A_431 = vector.broadcast %sub3A_430 : i32 to vector<16xi32>
              %sub3A_432 = arith.subi %add3A_429, %sub3A_431 : vector<16xi32>
              %not3A_433 = arith.constant dense<true> : vector<16xi1>
              %not3A_434 = arith.xori %eq3A_414, %not3A_433 : vector<16xi1>
              tpu.vector_store_idx %arg15[%sub3A_432], %get3A_407 masked %not3A_434 : memref<384xf32, #tpu.memory_space<vmem>>[vector<16xi32>], vector<16xf32>, vector<16xi1>
              %all_reduce_population_count3A_435 = tpu.all_reduce %eq3A_414 {dim = 0 : i64, kind = #tpu.reduction_kind<sum>} : vector<16xi1> -> vector<16xi32>
              %add3A_436 = arith.addi %scan3A_399, %all_reduce_population_count3A_435 : vector<16xi32>
              scf.yield %add3A_436 : vector<16xi32>
            }
            %scan3A_338 = arith.constant 22 : i32
            %broadcast_in_dim3A_339 = vector.broadcast %add3A_328 : i32 to vector<16xi32>
            %broadcast_in_dim3A_340 = arith.constant 22 : i32
            %broadcast_in_dim3A_341 = vector.broadcast %broadcast_in_dim3A_340 : i32 to vector<16xi32>
            %gather3A = tpu.vector_load_idx %arg8[%broadcast_in_dim3A_339, %broadcast_in_dim3A_341] : memref<32x24xi32, #tpu.memory_space<vmem>>[vector<16xi32>, vector<16xi32>], vector<16xi32>,
            %get3A = arith.index_cast %add3A_328 : i32 to index
            %get3A_342 = arith.constant 344 : index
            %get3A_343 = tpu.vector_load %arg12[%get3A, %get3A_342] {strides = array<i32>} : memref<32x360xf32, #tpu.memory_space<vmem>>, vector<16xf32>,
            %ge3A_344 = arith.constant 8 : i32
            %ge3A_345 = vector.broadcast %ge3A_344 : i32 to vector<16xi32>
            %ge3A_346 = arith.cmpi sge, %iota3A_329, %ge3A_345 : vector<16xi32>
            %sub3A = arith.constant 8 : i32
            %sub3A_347 = vector.broadcast %sub3A : i32 to vector<16xi32>
            %sub3A_348 = arith.subi %iota3A_329, %sub3A_347 : vector<16xi32>
            %max3A = arith.constant 0 : i32
            %max3A_349 = vector.broadcast %max3A : i32 to vector<16xi32>
            %max3A_350 = arith.maxsi %sub3A_348, %max3A_349 : vector<16xi32>
            %shift_right_arithmetic3A = arith.shrsi %gather3A, %max3A_350 : vector<16xi32>
            %and3A = arith.constant 1 : i32
            %and3A_351 = vector.broadcast %and3A : i32 to vector<16xi32>
            %and3A_352 = arith.andi %shift_right_arithmetic3A, %and3A_351 : vector<16xi32>
            %eq3A_353 = arith.constant 1 : i32
            %eq3A_354 = vector.broadcast %eq3A_353 : i32 to vector<16xi32>
            %eq3A_355 = arith.cmpi eq, %and3A_352, %eq3A_354 : vector<16xi32>
            %and3A_356 = arith.andi %eq3A_355, %ge3A_346 : vector<16xi1>
            %sub3A_357 = arith.constant 7 : i32
            %sub3A_358 = vector.broadcast %sub3A_357 : i32 to vector<16xi32>
            %sub3A_359 = arith.subi %iota3A_329, %sub3A_358 : vector<16xi32>
            %max3A_360 = arith.constant 0 : i32
            %max3A_361 = vector.broadcast %max3A_360 : i32 to vector<16xi32>
            %max3A_362 = arith.maxsi %sub3A_359, %max3A_361 : vector<16xi32>
            %convert_element_type3A_363 = arith.extui %and3A_356 : vector<16xi1> to vector<16xi32>
            %broadcast_in_dim3A_364 = arith.constant true
            %broadcast_in_dim3A_365 = vector.broadcast %broadcast_in_dim3A_364 : i1 to vector<16xi1>
            %masked_cumsum3A = tpu.scan <sum>, %convert_element_type3A_363 masked %broadcast_in_dim3A_365 : vector<16xi32>, vector<16xi1> -> vector<16xi32>
            %add3A_366 = arith.addi %scan3A_337, %masked_cumsum3A : vector<16xi32>
            %sub3A_367 = arith.constant 1 : i32
            %sub3A_368 = vector.broadcast %sub3A_367 : i32 to vector<16xi32>
            %sub3A_369 = arith.subi %add3A_366, %sub3A_368 : vector<16xi32>
            tpu.vector_store_idx %arg14[%broadcast_in_dim3A_330, %sub3A_369], %get3A_343 masked %and3A_356 : memref<8x360xf32, #tpu.memory_space<vmem>>[vector<16xi32>, vector<16xi32>], vector<16xf32>, vector<16xi1>
            %not3A_370 = arith.constant dense<true> : vector<16xi1>
            %not3A_371 = arith.xori %and3A_356, %not3A_370 : vector<16xi1>
            %and3A_372 = arith.andi %ge3A_346, %not3A_371 : vector<16xi1>
            %sub3A_373 = arith.constant 352 : i32
            %sub3A_374 = vector.broadcast %sub3A_373 : i32 to vector<16xi32>
            %sub3A_375 = arith.subi %sub3A_374, %scan3A_337 : vector<16xi32>
            %sub3A_376 = arith.subi %max3A_362, %masked_cumsum3A : vector<16xi32>
            %add3A_377 = arith.addi %sub3A_375, %sub3A_376 : vector<16xi32>
            %sub3A_378 = arith.constant 1 : i32
            %sub3A_379 = vector.broadcast %sub3A_378 : i32 to vector<16xi32>
            %sub3A_380 = arith.subi %add3A_377, %sub3A_379 : vector<16xi32>
            tpu.vector_store_idx %arg15[%sub3A_380], %get3A_343 masked %and3A_372 : memref<384xf32, #tpu.memory_space<vmem>>[vector<16xi32>], vector<16xf32>, vector<16xi1>
            %all_reduce_population_count3A = tpu.all_reduce %and3A_356 {dim = 0 : i64, kind = #tpu.reduction_kind<sum>} : vector<16xi1> -> vector<16xi32>
            %add3A_381 = arith.addi %scan3A_337, %all_reduce_population_count3A : vector<16xi32>
            %sub3A_382 = arith.constant 360 : i32
            %sub3A_383 = vector.broadcast %sub3A_382 : i32 to vector<16xi32>
            %sub3A_384 = arith.subi %sub3A_383, %add3A_381 : vector<16xi32>
            %reduce_max3A_385 = arith.constant true
            %reduce_max3A_386 = vector.broadcast %reduce_max3A_385 : i1 to vector<16xi1>
            %reduce_max3A_387 = arith.constant -2147483648 : i32
            %reduce_max3A_388 = vector.broadcast %reduce_max3A_387 : i32 to vector<16xi32>
            %reduce_max3A_389 = arith.xori %sub3A_384, %reduce_max3A_388 : vector<16xi32>
            %reduce_max3A_390 = tpu.scan <max>, %reduce_max3A_389 masked %reduce_max3A_386 : vector<16xi32>, vector<16xi1> -> vector<16xi32>
            %reduce_max3A_391 = arith.xori %reduce_max3A_390, %reduce_max3A_388 : vector<16xi32>
            %reduce_max3A_392 = vector.extract %reduce_max3A_391[15] : i32 from vector<16xi32>
            %gt3A = arith.constant 0 : i32
            %gt3A_393 = arith.cmpi sgt, %reduce_max3A_392, %gt3A : i32
            %convert_element_type3A_394 = arith.extui %gt3A_393 : i1 to i32
            %cond3A_395 = arith.constant 0 : i32
            %cond3A_396 = arith.cmpi ne, %convert_element_type3A_394, %cond3A_395 : i32
            scf.if %cond3A_396 {
              %scan3A_398 = arith.constant 0 : i32
              %scan3A_399 = arith.constant 0 : i32
              %scan3A_400 = arith.constant 23 : i32
              %scan3A_401 = arith.addi %scan3A_399, %scan3A_400 : i32
              %scan3A_402 = arith.constant 1 : i32
              scf.for %scan3A_404 = %scan3A_399 to %scan3A_401 step %scan3A_402  : i32 {
                %mul3A_405 = arith.constant 16 : i32
                %mul3A_406 = arith.muli %scan3A_404, %mul3A_405 : i32
                %get3A_407 = arith.index_cast %mul3A_406 : i32 to index
                %get3A_408 = tpu.vector_load %arg15[%get3A_407] {strides = array<i32>} : memref<384xf32, #tpu.memory_space<vmem>>, vector<16xf32>,
                %add3A_409 = vector.broadcast %mul3A_406 : i32 to vector<16xi32>
                %add3A_410 = arith.addi %add3A_409, %iota3A_329 : vector<16xi32>
                %add3A_411 = arith.addi %add3A_381, %add3A_410 : vector<16xi32>
                %min3A = arith.constant 359 : i32
                %min3A_412 = vector.broadcast %min3A : i32 to vector<16xi32>
                %min3A_413 = arith.minsi %add3A_411, %min3A_412 : vector<16xi32>
                %lt3A_414 = arith.cmpi slt, %add3A_410, %sub3A_384 : vector<16xi32>
                tpu.vector_store_idx %arg14[%broadcast_in_dim3A_330, %min3A_413], %get3A_408 masked %lt3A_414 : memref<8x360xf32, #tpu.memory_space<vmem>>[vector<16xi32>, vector<16xi32>], vector<16xf32>, vector<16xi1>
              }
              %scan3A_403 = arith.constant 23 : i32
            } else {
            }
            %scan3A_397 = arith.constant 0 : i32
            scf.yield %scan3A_397 : i32
          }
          %scan3A_306 = arith.constant 8 : i32
          %mul3A_307 = arith.constant 8 : i32
          %mul3A_308 = arith.muli %scan3A_299, %mul3A_307 : i32
          %add3A_309 = arith.addi %add3A_179, %mul3A_308 : i32
          %dma_start3A_310 = arith.constant 0 : i32
          %dma_start3A_311 = arith.constant 0 : i32
          %dma_start3A_312 = tpu.memref_slice %arg4[%dma_start3A_310, %add3A_309, %dma_start3A_311] : memref<1x16384x360xf32, #tpu.memory_space<hbm>> -> memref<1x8x360xf32, #tpu.memory_space<hbm>>
          %dma_start3A_313 = tpu.memref_squeeze %dma_start3A_312 : memref<1x8x360xf32, #tpu.memory_space<hbm>> -> memref<8x360xf32, #tpu.memory_space<hbm>>
          %dma_start3A_314 = arith.constant 0 : i32
          %dma_start3A_315 = tpu.memref_slice %arg4[%dma_start3A_310, %add3A_309, %dma_start3A_314] : memref<1x16384x360xf32, #tpu.memory_space<hbm>> -> memref<1x8x360xf32, #tpu.memory_space<hbm>>
          %dma_start3A_316 = tpu.memref_squeeze %dma_start3A_315 : memref<1x8x360xf32, #tpu.memory_space<hbm>> -> memref<8x360xf32, #tpu.memory_space<hbm>>
          tpu.enqueue_dma source(%arg14 : memref<8x360xf32, #tpu.memory_space<vmem>>) target(%dma_start3A_316 : memref<8x360xf32, #tpu.memory_space<hbm>>) target_semaphore(%arg24 : memref<!tpu.dma_semaphore, #tpu.memory_space<semaphore_mem>>)
          %dma_wait3A_317 = arith.constant 0 : i32
          %dma_wait3A_318 = arith.constant 0 : i32
          %dma_wait3A_319 = tpu.memref_slice %arg4[%dma_wait3A_317, %add3A_309, %dma_wait3A_318] : memref<1x16384x360xf32, #tpu.memory_space<hbm>> -> memref<1x8x360xf32, #tpu.memory_space<hbm>>
          %dma_wait3A_320 = tpu.memref_squeeze %dma_wait3A_319 : memref<1x8x360xf32, #tpu.memory_space<hbm>> -> memref<8x360xf32, #tpu.memory_space<hbm>>
          %dma_wait3A_321 = arith.constant 0 : i32
          %dma_wait3A_322 = tpu.memref_slice %arg4[%dma_wait3A_317, %add3A_309, %dma_wait3A_321] : memref<1x16384x360xf32, #tpu.memory_space<hbm>> -> memref<1x8x360xf32, #tpu.memory_space<hbm>>
          %dma_wait3A_323 = tpu.memref_squeeze %dma_wait3A_322 : memref<1x8x360xf32, #tpu.memory_space<hbm>> -> memref<8x360xf32, #tpu.memory_space<hbm>>
          tpu.wait_dma2 semaphore(%arg24 : memref<!tpu.dma_semaphore, #tpu.memory_space<semaphore_mem>>) src(%arg14 : memref<8x360xf32, #tpu.memory_space<vmem>>) dst(%dma_wait3A_323 : memref<8x360xf32, #tpu.memory_space<hbm>>)
        }
        %scan3A_298 = arith.constant 4 : i32
        tpu.enqueue_dma source(%arg12 : memref<32x360xf32, #tpu.memory_space<vmem>>) target(%arg5 : memref<32x360xf32, #tpu.memory_space<hbm>>) target_semaphore(%arg25 : memref<!tpu.dma_semaphore, #tpu.memory_space<semaphore_mem>>)
      } else {
      }
      %mul3A_233 = arith.constant 4 : i32
      %mul3A_234 = arith.muli %mul3A_233, %scan3A_57 : i32
      %add3A_235 = arith.constant 3 : i32
      %add3A_236 = arith.addi %mul3A_234, %add3A_235 : i32
      %mul3A_237 = arith.constant 32 : i32
      %mul3A_238 = arith.muli %add3A_236, %mul3A_237 : i32
      %add3A_239 = arith.addi %mul3A_2, %mul3A_238 : i32
      %ge3A_240 = arith.constant 3 : i32
      %ge3A_241 = arith.cmpi sge, %add3A_236, %ge3A_240 : i32
      %convert_element_type3A_242 = arith.extui %ge3A_241 : i1 to i32
      %cond3A_243 = arith.constant 0 : i32
      %cond3A_244 = arith.cmpi ne, %convert_element_type3A_242, %cond3A_243 : i32
      scf.if %cond3A_244 {
        %dma_wait3A_293 = arith.constant 0 : i32
        %dma_wait3A_294 = arith.constant 0 : i32
        %dma_wait3A_295 = arith.constant 0 : i32
        %dma_wait3A_296 = tpu.memref_slice %arg4[%dma_wait3A_293, %dma_wait3A_294, %dma_wait3A_295] : memref<1x16384x360xf32, #tpu.memory_space<hbm>> -> memref<1x32x360xf32, #tpu.memory_space<hbm>>
        %dma_wait3A_297 = tpu.memref_squeeze %dma_wait3A_296 : memref<1x32x360xf32, #tpu.memory_space<hbm>> -> memref<32x360xf32, #tpu.memory_space<hbm>>
        %dma_wait3A_298 = arith.constant 0 : i32
        %dma_wait3A_299 = arith.constant 0 : i32
        %dma_wait3A_300 = tpu.memref_slice %arg4[%dma_wait3A_293, %dma_wait3A_298, %dma_wait3A_299] : memref<1x16384x360xf32, #tpu.memory_space<hbm>> -> memref<1x32x360xf32, #tpu.memory_space<hbm>>
        %dma_wait3A_301 = tpu.memref_squeeze %dma_wait3A_300 : memref<1x32x360xf32, #tpu.memory_space<hbm>> -> memref<32x360xf32, #tpu.memory_space<hbm>>
        tpu.wait_dma2 semaphore(%arg25 : memref<!tpu.dma_semaphore, #tpu.memory_space<semaphore_mem>>) src(%arg10 : memref<32x360xf32, #tpu.memory_space<vmem>>) dst(%dma_wait3A_301 : memref<32x360xf32, #tpu.memory_space<hbm>>)
      } else {
      }
      %add3A_245 = arith.constant 1 : i32
      %add3A_246 = arith.addi %add3A_236, %add3A_245 : i32
      %lt3A_247 = arith.constant 16 : i32
      %lt3A_248 = arith.cmpi slt, %add3A_246, %lt3A_247 : i32
      %convert_element_type3A_249 = arith.extui %lt3A_248 : i1 to i32
      %cond3A_250 = arith.constant 0 : i32
      %cond3A_251 = arith.cmpi ne, %convert_element_type3A_249, %cond3A_250 : i32
      scf.if %cond3A_251 {
        %add3A_293 = arith.constant 1 : i32
        %add3A_294 = arith.addi %add3A_236, %add3A_293 : i32
        %mul3A_295 = arith.constant 32 : i32
        %mul3A_296 = arith.muli %add3A_294, %mul3A_295 : i32
        %add3A_297 = arith.addi %mul3A_2, %mul3A_296 : i32
        %dma_start3A_298 = arith.constant 0 : i32
        %dma_start3A_299 = arith.constant 0 : i32
        %dma_start3A_300 = tpu.memref_slice %arg2[%dma_start3A_298, %add3A_297, %dma_start3A_299] : memref<1x16384x360xf32, #tpu.memory_space<hbm>> -> memref<1x32x360xf32, #tpu.memory_space<hbm>>
        %dma_start3A_301 = tpu.memref_squeeze %dma_start3A_300 : memref<1x32x360xf32, #tpu.memory_space<hbm>> -> memref<32x360xf32, #tpu.memory_space<hbm>>
        %dma_start3A_302 = arith.constant 0 : i32
        %dma_start3A_303 = tpu.memref_slice %arg2[%dma_start3A_298, %add3A_297, %dma_start3A_302] : memref<1x16384x360xf32, #tpu.memory_space<hbm>> -> memref<1x32x360xf32, #tpu.memory_space<hbm>>
        %dma_start3A_304 = tpu.memref_squeeze %dma_start3A_303 : memref<1x32x360xf32, #tpu.memory_space<hbm>> -> memref<32x360xf32, #tpu.memory_space<hbm>>
        tpu.enqueue_dma source(%dma_start3A_304 : memref<32x360xf32, #tpu.memory_space<hbm>>) target(%arg10 : memref<32x360xf32, #tpu.memory_space<vmem>>) target_semaphore(%arg20 : memref<!tpu.dma_semaphore, #tpu.memory_space<semaphore_mem>>)
        %dma_start3A_305 = arith.constant 0 : i32
        %dma_start3A_306 = tpu.memref_slice %arg3[%add3A_297, %dma_start3A_305] : memref<16384x24xi32, #tpu.memory_space<hbm>> -> memref<32x24xi32, #tpu.memory_space<hbm>>
        %dma_start3A_307 = arith.constant 0 : i32
        %dma_start3A_308 = tpu.memref_slice %arg3[%add3A_297, %dma_start3A_307] : memref<16384x24xi32, #tpu.memory_space<hbm>> -> memref<32x24xi32, #tpu.memory_space<hbm>>
        tpu.enqueue_dma source(%dma_start3A_308 : memref<32x24xi32, #tpu.memory_space<hbm>>) target(%arg6 : memref<32x24xi32, #tpu.memory_space<vmem>>) target_semaphore(%arg16 : memref<!tpu.dma_semaphore, #tpu.memory_space<semaphore_mem>>)
      } else {
      }
      %dma_wait3A_252 = arith.constant 0 : i32
      %dma_wait3A_253 = arith.constant 0 : i32
      %dma_wait3A_254 = arith.constant 0 : i32
      %dma_wait3A_255 = tpu.memref_slice %arg2[%dma_wait3A_252, %dma_wait3A_253, %dma_wait3A_254] : memref<1x16384x360xf32, #tpu.memory_space<hbm>> -> memref<1x32x360xf32, #tpu.memory_space<hbm>>
      %dma_wait3A_256 = tpu.memref_squeeze %dma_wait3A_255 : memref<1x32x360xf32, #tpu.memory_space<hbm>> -> memref<32x360xf32, #tpu.memory_space<hbm>>
      %dma_wait3A_257 = arith.constant 0 : i32
      %dma_wait3A_258 = arith.constant 0 : i32
      %dma_wait3A_259 = tpu.memref_slice %arg2[%dma_wait3A_252, %dma_wait3A_257, %dma_wait3A_258] : memref<1x16384x360xf32, #tpu.memory_space<hbm>> -> memref<1x32x360xf32, #tpu.memory_space<hbm>>
      %dma_wait3A_260 = tpu.memref_squeeze %dma_wait3A_259 : memref<1x32x360xf32, #tpu.memory_space<hbm>> -> memref<32x360xf32, #tpu.memory_space<hbm>>
      tpu.wait_dma2 semaphore(%arg23 : memref<!tpu.dma_semaphore, #tpu.memory_space<semaphore_mem>>) src(%dma_wait3A_260 : memref<32x360xf32, #tpu.memory_space<hbm>>) dst(%arg13 : memref<32x360xf32, #tpu.memory_space<vmem>>)
      %dma_wait3A_261 = arith.constant 0 : i32
      %dma_wait3A_262 = arith.constant 0 : i32
      %dma_wait3A_263 = tpu.memref_slice %arg3[%dma_wait3A_261, %dma_wait3A_262] : memref<16384x24xi32, #tpu.memory_space<hbm>> -> memref<32x24xi32, #tpu.memory_space<hbm>>
      %dma_wait3A_264 = arith.constant 0 : i32
      %dma_wait3A_265 = arith.constant 0 : i32
      %dma_wait3A_266 = tpu.memref_slice %arg3[%dma_wait3A_264, %dma_wait3A_265] : memref<16384x24xi32, #tpu.memory_space<hbm>> -> memref<32x24xi32, #tpu.memory_space<hbm>>
      tpu.wait_dma2 semaphore(%arg19 : memref<!tpu.dma_semaphore, #tpu.memory_space<semaphore_mem>>) src(%dma_wait3A_266 : memref<32x24xi32, #tpu.memory_space<hbm>>) dst(%arg9 : memref<32x24xi32, #tpu.memory_space<vmem>>)
      %broadcast_in_dim3A_267 = arith.constant 0 : i32
      %broadcast_in_dim3A_268 = vector.broadcast %broadcast_in_dim3A_267 : i32 to vector<16xi32>
      %scan3A_269 = arith.constant 0 : i32
      %scan3A_270 = arith.constant 32 : i32
      %scan3A_271 = arith.addi %scan3A_269, %scan3A_270 : i32
      %scan3A_272 = arith.constant 1 : i32
      %scan3A_273 = scf.for %scan3A_293 = %scan3A_269 to %scan3A_271 step %scan3A_272 iter_args(%scan3A_294 = %broadcast_in_dim3A_268) -> (vector<16xi32>)  : i32 {
        %get3A = arith.index_cast %scan3A_293 : i32 to index
        %get3A_295 = arith.constant 0 : index
        %get3A_296 = tpu.vector_load %arg9[%get3A, %get3A_295] {strides = array<i32>} : memref<32x24xi32, #tpu.memory_space<vmem>>, vector<16xi32>,
        %xor3A = arith.xori %get3A_296, %broadcast_in_dim3A_3 : vector<16xi32>
        %get3A_297 = arith.index_cast %scan3A_293 : i32 to index
        %get3A_298 = arith.constant 8 : index
        %get3A_299 = tpu.vector_load %arg9[%get3A_297, %get3A_298] {strides = array<i32>} : memref<32x24xi32, #tpu.memory_space<vmem>>, vector<16xi32>,
        %xor3A_300 = arith.xori %get3A_299, %select_n3A_13 : vector<16xi32>
        %or3A = arith.ori %scan3A_294, %xor3A : vector<16xi32>
        %or3A_301 = arith.ori %or3A, %xor3A_300 : vector<16xi32>
        scf.yield %or3A_301 : vector<16xi32>
      }
      %scan3A_274 = arith.constant 32 : i32
      %reduce_max3A_275 = arith.constant true
      %reduce_max3A_276 = vector.broadcast %reduce_max3A_275 : i1 to vector<16xi1>
      %reduce_max3A_277 = arith.constant -2147483648 : i32
      %reduce_max3A_278 = vector.broadcast %reduce_max3A_277 : i32 to vector<16xi32>
      %reduce_max3A_279 = arith.xori %scan3A_273, %reduce_max3A_278 : vector<16xi32>
      %reduce_max3A_280 = tpu.scan <max>, %reduce_max3A_279 masked %reduce_max3A_276 : vector<16xi32>, vector<16xi1> -> vector<16xi32>
      %reduce_max3A_281 = arith.xori %reduce_max3A_280, %reduce_max3A_278 : vector<16xi32>
      %reduce_max3A_282 = vector.extract %reduce_max3A_281[15] : i32 from vector<16xi32>
      %eq3A_283 = arith.constant 0 : i32
      %eq3A_284 = arith.cmpi eq, %reduce_max3A_282, %eq3A_283 : i32
      %convert_element_type3A_285 = arith.extui %eq3A_284 : i1 to i32
      %cond3A_286 = arith.constant 0 : i32
      %cond3A_287 = arith.cmpi ne, %convert_element_type3A_285, %cond3A_286 : i32
      scf.if %cond3A_287 {
        %dma_start3A_293 = arith.constant 0 : i32
        %dma_start3A_294 = arith.constant 0 : i32
        %dma_start3A_295 = tpu.memref_slice %arg4[%dma_start3A_293, %add3A_239, %dma_start3A_294] : memref<1x16384x360xf32, #tpu.memory_space<hbm>> -> memref<1x32x360xf32, #tpu.memory_space<hbm>>
        %dma_start3A_296 = tpu.memref_squeeze %dma_start3A_295 : memref<1x32x360xf32, #tpu.memory_space<hbm>> -> memref<32x360xf32, #tpu.memory_space<hbm>>
        %dma_start3A_297 = arith.constant 0 : i32
        %dma_start3A_298 = tpu.memref_slice %arg4[%dma_start3A_293, %add3A_239, %dma_start3A_297] : memref<1x16384x360xf32, #tpu.memory_space<hbm>> -> memref<1x32x360xf32, #tpu.memory_space<hbm>>
        %dma_start3A_299 = tpu.memref_squeeze %dma_start3A_298 : memref<1x32x360xf32, #tpu.memory_space<hbm>> -> memref<32x360xf32, #tpu.memory_space<hbm>>
        tpu.enqueue_dma source(%arg13 : memref<32x360xf32, #tpu.memory_space<vmem>>) target(%dma_start3A_299 : memref<32x360xf32, #tpu.memory_space<hbm>>) target_semaphore(%arg25 : memref<!tpu.dma_semaphore, #tpu.memory_space<semaphore_mem>>)
      } else {
      }
      %not3A_288 = arith.constant true
      %not3A_289 = arith.xori %eq3A_284, %not3A_288 : i1
      %convert_element_type3A_290 = arith.extui %not3A_289 : i1 to i32
      %cond3A_291 = arith.constant 0 : i32
      %cond3A_292 = arith.cmpi ne, %convert_element_type3A_290, %cond3A_291 : i32
      scf.if %cond3A_292 {
        %scan3A_293 = arith.constant 0 : i32
        %scan3A_294 = arith.constant 0 : i32
        %scan3A_295 = arith.constant 4 : i32
        %scan3A_296 = arith.addi %scan3A_294, %scan3A_295 : i32
        %scan3A_297 = arith.constant 1 : i32
        scf.for %scan3A_299 = %scan3A_294 to %scan3A_296 step %scan3A_297  : i32 {
          %scan3A_300 = arith.constant 0 : i32
          %scan3A_301 = arith.constant 0 : i32
          %scan3A_302 = arith.constant 8 : i32
          %scan3A_303 = arith.addi %scan3A_301, %scan3A_302 : i32
          %scan3A_304 = arith.constant 1 : i32
          %scan3A_305 = scf.for %scan3A_324 = %scan3A_301 to %scan3A_303 step %scan3A_304 iter_args(%scan3A_325 = %scan3A_300) -> (i32)  : i32 {
            %mul3A_326 = arith.constant 8 : i32
            %mul3A_327 = arith.muli %scan3A_299, %mul3A_326 : i32
            %add3A_328 = arith.addi %mul3A_327, %scan3A_324 : i32
            %iota3A_329 = tpu.iota {dimensions = array<i32: 0>} : vector<16xi32>
            %broadcast_in_dim3A_330 = vector.broadcast %scan3A_324 : i32 to vector<16xi32>
            %broadcast_in_dim3A_331 = arith.constant 0 : i32
            %broadcast_in_dim3A_332 = vector.broadcast %broadcast_in_dim3A_331 : i32 to vector<16xi32>
            %scan3A_333 = arith.constant 0 : i32
            %scan3A_334 = arith.constant 22 : i32
            %scan3A_335 = arith.addi %scan3A_333, %scan3A_334 : i32
            %scan3A_336 = arith.constant 1 : i32
            %scan3A_337 = scf.for %scan3A_398 = %scan3A_333 to %scan3A_335 step %scan3A_336 iter_args(%scan3A_399 = %broadcast_in_dim3A_332) -> (vector<16xi32>)  : i32 {
              %mul3A_400 = arith.constant 16 : i32
              %mul3A_401 = arith.muli %scan3A_398, %mul3A_400 : i32
              %broadcast_in_dim3A_402 = vector.broadcast %add3A_328 : i32 to vector<16xi32>
              %broadcast_in_dim3A_403 = vector.broadcast %scan3A_398 : i32 to vector<16xi32>
              %gather3A_404 = tpu.vector_load_idx %arg9[%broadcast_in_dim3A_402, %broadcast_in_dim3A_403] : memref<32x24xi32, #tpu.memory_space<vmem>>[vector<16xi32>, vector<16xi32>], vector<16xi32>,
              %get3A_405 = arith.index_cast %add3A_328 : i32 to index
              %get3A_406 = arith.index_cast %mul3A_401 : i32 to index
              %get3A_407 = tpu.vector_load %arg13[%get3A_405, %get3A_406] {strides = array<i32>} : memref<32x360xf32, #tpu.memory_space<vmem>>, vector<16xf32>,
              %shift_right_arithmetic3A_408 = arith.shrsi %gather3A_404, %iota3A_329 : vector<16xi32>
              %and3A_409 = arith.constant 1 : i32
              %and3A_410 = vector.broadcast %and3A_409 : i32 to vector<16xi32>
              %and3A_411 = arith.andi %shift_right_arithmetic3A_408, %and3A_410 : vector<16xi32>
              %eq3A_412 = arith.constant 1 : i32
              %eq3A_413 = vector.broadcast %eq3A_412 : i32 to vector<16xi32>
              %eq3A_414 = arith.cmpi eq, %and3A_411, %eq3A_413 : vector<16xi32>
              %convert_element_type3A_415 = arith.extui %eq3A_414 : vector<16xi1> to vector<16xi32>
              %broadcast_in_dim3A_416 = arith.constant true
              %broadcast_in_dim3A_417 = vector.broadcast %broadcast_in_dim3A_416 : i1 to vector<16xi1>
              %masked_cumsum3A_418 = tpu.scan <sum>, %convert_element_type3A_415 masked %broadcast_in_dim3A_417 : vector<16xi32>, vector<16xi1> -> vector<16xi32>
              %add3A_419 = arith.addi %scan3A_399, %masked_cumsum3A_418 : vector<16xi32>
              %sub3A_420 = arith.constant 1 : i32
              %sub3A_421 = vector.broadcast %sub3A_420 : i32 to vector<16xi32>
              %sub3A_422 = arith.subi %add3A_419, %sub3A_421 : vector<16xi32>
              tpu.vector_store_idx %arg14[%broadcast_in_dim3A_330, %sub3A_422], %get3A_407 masked %eq3A_414 : memref<8x360xf32, #tpu.memory_space<vmem>>[vector<16xi32>, vector<16xi32>], vector<16xf32>, vector<16xi1>
              %sub3A_423 = vector.broadcast %mul3A_401 : i32 to vector<16xi32>
              %sub3A_424 = arith.subi %sub3A_423, %scan3A_399 : vector<16xi32>
              %add3A_425 = arith.constant 1 : i32
              %add3A_426 = vector.broadcast %add3A_425 : i32 to vector<16xi32>
              %add3A_427 = arith.addi %iota3A_329, %add3A_426 : vector<16xi32>
              %sub3A_428 = arith.subi %add3A_427, %masked_cumsum3A_418 : vector<16xi32>
              %add3A_429 = arith.addi %sub3A_424, %sub3A_428 : vector<16xi32>
              %sub3A_430 = arith.constant 1 : i32
              %sub3A_431 = vector.broadcast %sub3A_430 : i32 to vector<16xi32>
              %sub3A_432 = arith.subi %add3A_429, %sub3A_431 : vector<16xi32>
              %not3A_433 = arith.constant dense<true> : vector<16xi1>
              %not3A_434 = arith.xori %eq3A_414, %not3A_433 : vector<16xi1>
              tpu.vector_store_idx %arg15[%sub3A_432], %get3A_407 masked %not3A_434 : memref<384xf32, #tpu.memory_space<vmem>>[vector<16xi32>], vector<16xf32>, vector<16xi1>
              %all_reduce_population_count3A_435 = tpu.all_reduce %eq3A_414 {dim = 0 : i64, kind = #tpu.reduction_kind<sum>} : vector<16xi1> -> vector<16xi32>
              %add3A_436 = arith.addi %scan3A_399, %all_reduce_population_count3A_435 : vector<16xi32>
              scf.yield %add3A_436 : vector<16xi32>
            }
            %scan3A_338 = arith.constant 22 : i32
            %broadcast_in_dim3A_339 = vector.broadcast %add3A_328 : i32 to vector<16xi32>
            %broadcast_in_dim3A_340 = arith.constant 22 : i32
            %broadcast_in_dim3A_341 = vector.broadcast %broadcast_in_dim3A_340 : i32 to vector<16xi32>
            %gather3A = tpu.vector_load_idx %arg9[%broadcast_in_dim3A_339, %broadcast_in_dim3A_341] : memref<32x24xi32, #tpu.memory_space<vmem>>[vector<16xi32>, vector<16xi32>], vector<16xi32>,
            %get3A = arith.index_cast %add3A_328 : i32 to index
            %get3A_342 = arith.constant 344 : index
            %get3A_343 = tpu.vector_load %arg13[%get3A, %get3A_342] {strides = array<i32>} : memref<32x360xf32, #tpu.memory_space<vmem>>, vector<16xf32>,
            %ge3A_344 = arith.constant 8 : i32
            %ge3A_345 = vector.broadcast %ge3A_344 : i32 to vector<16xi32>
            %ge3A_346 = arith.cmpi sge, %iota3A_329, %ge3A_345 : vector<16xi32>
            %sub3A = arith.constant 8 : i32
            %sub3A_347 = vector.broadcast %sub3A : i32 to vector<16xi32>
            %sub3A_348 = arith.subi %iota3A_329, %sub3A_347 : vector<16xi32>
            %max3A = arith.constant 0 : i32
            %max3A_349 = vector.broadcast %max3A : i32 to vector<16xi32>
            %max3A_350 = arith.maxsi %sub3A_348, %max3A_349 : vector<16xi32>
            %shift_right_arithmetic3A = arith.shrsi %gather3A, %max3A_350 : vector<16xi32>
            %and3A = arith.constant 1 : i32
            %and3A_351 = vector.broadcast %and3A : i32 to vector<16xi32>
            %and3A_352 = arith.andi %shift_right_arithmetic3A, %and3A_351 : vector<16xi32>
            %eq3A_353 = arith.constant 1 : i32
            %eq3A_354 = vector.broadcast %eq3A_353 : i32 to vector<16xi32>
            %eq3A_355 = arith.cmpi eq, %and3A_352, %eq3A_354 : vector<16xi32>
            %and3A_356 = arith.andi %eq3A_355, %ge3A_346 : vector<16xi1>
            %sub3A_357 = arith.constant 7 : i32
            %sub3A_358 = vector.broadcast %sub3A_357 : i32 to vector<16xi32>
            %sub3A_359 = arith.subi %iota3A_329, %sub3A_358 : vector<16xi32>
            %max3A_360 = arith.constant 0 : i32
            %max3A_361 = vector.broadcast %max3A_360 : i32 to vector<16xi32>
            %max3A_362 = arith.maxsi %sub3A_359, %max3A_361 : vector<16xi32>
            %convert_element_type3A_363 = arith.extui %and3A_356 : vector<16xi1> to vector<16xi32>
            %broadcast_in_dim3A_364 = arith.constant true
            %broadcast_in_dim3A_365 = vector.broadcast %broadcast_in_dim3A_364 : i1 to vector<16xi1>
            %masked_cumsum3A = tpu.scan <sum>, %convert_element_type3A_363 masked %broadcast_in_dim3A_365 : vector<16xi32>, vector<16xi1> -> vector<16xi32>
            %add3A_366 = arith.addi %scan3A_337, %masked_cumsum3A : vector<16xi32>
            %sub3A_367 = arith.constant 1 : i32
            %sub3A_368 = vector.broadcast %sub3A_367 : i32 to vector<16xi32>
            %sub3A_369 = arith.subi %add3A_366, %sub3A_368 : vector<16xi32>
            tpu.vector_store_idx %arg14[%broadcast_in_dim3A_330, %sub3A_369], %get3A_343 masked %and3A_356 : memref<8x360xf32, #tpu.memory_space<vmem>>[vector<16xi32>, vector<16xi32>], vector<16xf32>, vector<16xi1>
            %not3A_370 = arith.constant dense<true> : vector<16xi1>
            %not3A_371 = arith.xori %and3A_356, %not3A_370 : vector<16xi1>
            %and3A_372 = arith.andi %ge3A_346, %not3A_371 : vector<16xi1>
            %sub3A_373 = arith.constant 352 : i32
            %sub3A_374 = vector.broadcast %sub3A_373 : i32 to vector<16xi32>
            %sub3A_375 = arith.subi %sub3A_374, %scan3A_337 : vector<16xi32>
            %sub3A_376 = arith.subi %max3A_362, %masked_cumsum3A : vector<16xi32>
            %add3A_377 = arith.addi %sub3A_375, %sub3A_376 : vector<16xi32>
            %sub3A_378 = arith.constant 1 : i32
            %sub3A_379 = vector.broadcast %sub3A_378 : i32 to vector<16xi32>
            %sub3A_380 = arith.subi %add3A_377, %sub3A_379 : vector<16xi32>
            tpu.vector_store_idx %arg15[%sub3A_380], %get3A_343 masked %and3A_372 : memref<384xf32, #tpu.memory_space<vmem>>[vector<16xi32>], vector<16xf32>, vector<16xi1>
            %all_reduce_population_count3A = tpu.all_reduce %and3A_356 {dim = 0 : i64, kind = #tpu.reduction_kind<sum>} : vector<16xi1> -> vector<16xi32>
            %add3A_381 = arith.addi %scan3A_337, %all_reduce_population_count3A : vector<16xi32>
            %sub3A_382 = arith.constant 360 : i32
            %sub3A_383 = vector.broadcast %sub3A_382 : i32 to vector<16xi32>
            %sub3A_384 = arith.subi %sub3A_383, %add3A_381 : vector<16xi32>
            %reduce_max3A_385 = arith.constant true
            %reduce_max3A_386 = vector.broadcast %reduce_max3A_385 : i1 to vector<16xi1>
            %reduce_max3A_387 = arith.constant -2147483648 : i32
            %reduce_max3A_388 = vector.broadcast %reduce_max3A_387 : i32 to vector<16xi32>
            %reduce_max3A_389 = arith.xori %sub3A_384, %reduce_max3A_388 : vector<16xi32>
            %reduce_max3A_390 = tpu.scan <max>, %reduce_max3A_389 masked %reduce_max3A_386 : vector<16xi32>, vector<16xi1> -> vector<16xi32>
            %reduce_max3A_391 = arith.xori %reduce_max3A_390, %reduce_max3A_388 : vector<16xi32>
            %reduce_max3A_392 = vector.extract %reduce_max3A_391[15] : i32 from vector<16xi32>
            %gt3A = arith.constant 0 : i32
            %gt3A_393 = arith.cmpi sgt, %reduce_max3A_392, %gt3A : i32
            %convert_element_type3A_394 = arith.extui %gt3A_393 : i1 to i32
            %cond3A_395 = arith.constant 0 : i32
            %cond3A_396 = arith.cmpi ne, %convert_element_type3A_394, %cond3A_395 : i32
            scf.if %cond3A_396 {
              %scan3A_398 = arith.constant 0 : i32
              %scan3A_399 = arith.constant 0 : i32
              %scan3A_400 = arith.constant 23 : i32
              %scan3A_401 = arith.addi %scan3A_399, %scan3A_400 : i32
              %scan3A_402 = arith.constant 1 : i32
              scf.for %scan3A_404 = %scan3A_399 to %scan3A_401 step %scan3A_402  : i32 {
                %mul3A_405 = arith.constant 16 : i32
                %mul3A_406 = arith.muli %scan3A_404, %mul3A_405 : i32
                %get3A_407 = arith.index_cast %mul3A_406 : i32 to index
                %get3A_408 = tpu.vector_load %arg15[%get3A_407] {strides = array<i32>} : memref<384xf32, #tpu.memory_space<vmem>>, vector<16xf32>,
                %add3A_409 = vector.broadcast %mul3A_406 : i32 to vector<16xi32>
                %add3A_410 = arith.addi %add3A_409, %iota3A_329 : vector<16xi32>
                %add3A_411 = arith.addi %add3A_381, %add3A_410 : vector<16xi32>
                %min3A = arith.constant 359 : i32
                %min3A_412 = vector.broadcast %min3A : i32 to vector<16xi32>
                %min3A_413 = arith.minsi %add3A_411, %min3A_412 : vector<16xi32>
                %lt3A_414 = arith.cmpi slt, %add3A_410, %sub3A_384 : vector<16xi32>
                tpu.vector_store_idx %arg14[%broadcast_in_dim3A_330, %min3A_413], %get3A_408 masked %lt3A_414 : memref<8x360xf32, #tpu.memory_space<vmem>>[vector<16xi32>, vector<16xi32>], vector<16xf32>, vector<16xi1>
              }
              %scan3A_403 = arith.constant 23 : i32
            } else {
            }
            %scan3A_397 = arith.constant 0 : i32
            scf.yield %scan3A_397 : i32
          }
          %scan3A_306 = arith.constant 8 : i32
          %mul3A_307 = arith.constant 8 : i32
          %mul3A_308 = arith.muli %scan3A_299, %mul3A_307 : i32
          %add3A_309 = arith.addi %add3A_239, %mul3A_308 : i32
          %dma_start3A_310 = arith.constant 0 : i32
          %dma_start3A_311 = arith.constant 0 : i32
          %dma_start3A_312 = tpu.memref_slice %arg4[%dma_start3A_310, %add3A_309, %dma_start3A_311] : memref<1x16384x360xf32, #tpu.memory_space<hbm>> -> memref<1x8x360xf32, #tpu.memory_space<hbm>>
          %dma_start3A_313 = tpu.memref_squeeze %dma_start3A_312 : memref<1x8x360xf32, #tpu.memory_space<hbm>> -> memref<8x360xf32, #tpu.memory_space<hbm>>
          %dma_start3A_314 = arith.constant 0 : i32
          %dma_start3A_315 = tpu.memref_slice %arg4[%dma_start3A_310, %add3A_309, %dma_start3A_314] : memref<1x16384x360xf32, #tpu.memory_space<hbm>> -> memref<1x8x360xf32, #tpu.memory_space<hbm>>
          %dma_start3A_316 = tpu.memref_squeeze %dma_start3A_315 : memref<1x8x360xf32, #tpu.memory_space<hbm>> -> memref<8x360xf32, #tpu.memory_space<hbm>>
          tpu.enqueue_dma source(%arg14 : memref<8x360xf32, #tpu.memory_space<vmem>>) target(%dma_start3A_316 : memref<8x360xf32, #tpu.memory_space<hbm>>) target_semaphore(%arg24 : memref<!tpu.dma_semaphore, #tpu.memory_space<semaphore_mem>>)
          %dma_wait3A_317 = arith.constant 0 : i32
          %dma_wait3A_318 = arith.constant 0 : i32
          %dma_wait3A_319 = tpu.memref_slice %arg4[%dma_wait3A_317, %add3A_309, %dma_wait3A_318] : memref<1x16384x360xf32, #tpu.memory_space<hbm>> -> memref<1x8x360xf32, #tpu.memory_space<hbm>>
          %dma_wait3A_320 = tpu.memref_squeeze %dma_wait3A_319 : memref<1x8x360xf32, #tpu.memory_space<hbm>> -> memref<8x360xf32, #tpu.memory_space<hbm>>
          %dma_wait3A_321 = arith.constant 0 : i32
          %dma_wait3A_322 = tpu.memref_slice %arg4[%dma_wait3A_317, %add3A_309, %dma_wait3A_321] : memref<1x16384x360xf32, #tpu.memory_space<hbm>> -> memref<1x8x360xf32, #tpu.memory_space<hbm>>
          %dma_wait3A_323 = tpu.memref_squeeze %dma_wait3A_322 : memref<1x8x360xf32, #tpu.memory_space<hbm>> -> memref<8x360xf32, #tpu.memory_space<hbm>>
          tpu.wait_dma2 semaphore(%arg24 : memref<!tpu.dma_semaphore, #tpu.memory_space<semaphore_mem>>) src(%arg14 : memref<8x360xf32, #tpu.memory_space<vmem>>) dst(%dma_wait3A_323 : memref<8x360xf32, #tpu.memory_space<hbm>>)
        }
        %scan3A_298 = arith.constant 4 : i32
        tpu.enqueue_dma source(%arg13 : memref<32x360xf32, #tpu.memory_space<vmem>>) target(%arg5 : memref<32x360xf32, #tpu.memory_space<hbm>>) target_semaphore(%arg25 : memref<!tpu.dma_semaphore, #tpu.memory_space<semaphore_mem>>)
      } else {
      }
    }
    %scan3A_30 = arith.constant 4 : i32
    %dma_wait3A = arith.constant 0 : i32
    %dma_wait3A_31 = arith.constant 0 : i32
    %dma_wait3A_32 = arith.constant 0 : i32
    %dma_wait3A_33 = tpu.memref_slice %arg4[%dma_wait3A, %dma_wait3A_31, %dma_wait3A_32] : memref<1x16384x360xf32, #tpu.memory_space<hbm>> -> memref<1x32x360xf32, #tpu.memory_space<hbm>>
    %dma_wait3A_34 = tpu.memref_squeeze %dma_wait3A_33 : memref<1x32x360xf32, #tpu.memory_space<hbm>> -> memref<32x360xf32, #tpu.memory_space<hbm>>
    %dma_wait3A_35 = arith.constant 0 : i32
    %dma_wait3A_36 = arith.constant 0 : i32
    %dma_wait3A_37 = tpu.memref_slice %arg4[%dma_wait3A, %dma_wait3A_35, %dma_wait3A_36] : memref<1x16384x360xf32, #tpu.memory_space<hbm>> -> memref<1x32x360xf32, #tpu.memory_space<hbm>>
    %dma_wait3A_38 = tpu.memref_squeeze %dma_wait3A_37 : memref<1x32x360xf32, #tpu.memory_space<hbm>> -> memref<32x360xf32, #tpu.memory_space<hbm>>
    tpu.wait_dma2 semaphore(%arg25 : memref<!tpu.dma_semaphore, #tpu.memory_space<semaphore_mem>>) src(%arg10 : memref<32x360xf32, #tpu.memory_space<vmem>>) dst(%dma_wait3A_38 : memref<32x360xf32, #tpu.memory_space<hbm>>)
    %dma_wait3A_39 = arith.constant 0 : i32
    %dma_wait3A_40 = arith.constant 0 : i32
    %dma_wait3A_41 = arith.constant 0 : i32
    %dma_wait3A_42 = tpu.memref_slice %arg4[%dma_wait3A_39, %dma_wait3A_40, %dma_wait3A_41] : memref<1x16384x360xf32, #tpu.memory_space<hbm>> -> memref<1x32x360xf32, #tpu.memory_space<hbm>>
    %dma_wait3A_43 = tpu.memref_squeeze %dma_wait3A_42 : memref<1x32x360xf32, #tpu.memory_space<hbm>> -> memref<32x360xf32, #tpu.memory_space<hbm>>
    %dma_wait3A_44 = arith.constant 0 : i32
    %dma_wait3A_45 = arith.constant 0 : i32
    %dma_wait3A_46 = tpu.memref_slice %arg4[%dma_wait3A_39, %dma_wait3A_44, %dma_wait3A_45] : memref<1x16384x360xf32, #tpu.memory_space<hbm>> -> memref<1x32x360xf32, #tpu.memory_space<hbm>>
    %dma_wait3A_47 = tpu.memref_squeeze %dma_wait3A_46 : memref<1x32x360xf32, #tpu.memory_space<hbm>> -> memref<32x360xf32, #tpu.memory_space<hbm>>
    tpu.wait_dma2 semaphore(%arg25 : memref<!tpu.dma_semaphore, #tpu.memory_space<semaphore_mem>>) src(%arg10 : memref<32x360xf32, #tpu.memory_space<vmem>>) dst(%dma_wait3A_47 : memref<32x360xf32, #tpu.memory_space<hbm>>)
    %dma_wait3A_48 = arith.constant 0 : i32
    %dma_wait3A_49 = arith.constant 0 : i32
    %dma_wait3A_50 = arith.constant 0 : i32
    %dma_wait3A_51 = tpu.memref_slice %arg4[%dma_wait3A_48, %dma_wait3A_49, %dma_wait3A_50] : memref<1x16384x360xf32, #tpu.memory_space<hbm>> -> memref<1x32x360xf32, #tpu.memory_space<hbm>>
    %dma_wait3A_52 = tpu.memref_squeeze %dma_wait3A_51 : memref<1x32x360xf32, #tpu.memory_space<hbm>> -> memref<32x360xf32, #tpu.memory_space<hbm>>
    %dma_wait3A_53 = arith.constant 0 : i32
    %dma_wait3A_54 = arith.constant 0 : i32
    %dma_wait3A_55 = tpu.memref_slice %arg4[%dma_wait3A_48, %dma_wait3A_53, %dma_wait3A_54] : memref<1x16384x360xf32, #tpu.memory_space<hbm>> -> memref<1x32x360xf32, #tpu.memory_space<hbm>>
    %dma_wait3A_56 = tpu.memref_squeeze %dma_wait3A_55 : memref<1x32x360xf32, #tpu.memory_space<hbm>> -> memref<32x360xf32, #tpu.memory_space<hbm>>
    tpu.wait_dma2 semaphore(%arg25 : memref<!tpu.dma_semaphore, #tpu.memory_space<semaphore_mem>>) src(%arg10 : memref<32x360xf32, #tpu.memory_space<vmem>>) dst(%dma_wait3A_56 : memref<32x360xf32, #tpu.memory_space<hbm>>)
    return
  }
}

</mosaic_0001>

<sc_bundles>
// kernel: kernel.3.cloned.1.call-start
scs
__scs_entry_jumppad:
0x0: {  	(pc) =	sbr.rel $0x88, $3  }
0x1: {  	(tag) =	ssettag $0x0;
	lr =	simm.s32 $0x1  }
0x2: {  	[smem:$0x3F9F] =	sst lr;
	_ =	strace $0xD0000000  }
0x3: {  	_ = 	snop  }
0x4: {  	_ = 	snop  }
0x5: {  	_ = 	snop  }
0x6: {  	_ = 	snop  }
0x7: {  	_ = 	snop  }
__scs_overlays_trampoline_lowered:
0x8: {  	[smem:$0x3FAE] =	sst s0  }
0x9: {  	[smem:$0x3FAF] =	sst s1  }
0xa: {  	[smem:$0x3FB0] =	sst s2  }
0xb: {  	[smem:$0x3FB1] =	sst s3  }
0xc: {  	[smem:$0x3FB2] =	sst s4  }
0xd: {  	[smem:$0x3FB3] =	sst s5  }
0xe: {  	[smem:$0x3FB4] =	sst s6  }
0xf: {  	[smem:$0x3FB5] =	sst s7  }
0x10: {  	[smem:$0x3FB6] =	sst s8  }
0x11: {  	[smem:$0x3FB7] =	sst s9;
	s0 =	simm.s32 @!p0 $0x0  }
0x12: {  	s1 =	sld [smem:$0x3F9D];
	s0 =	simm.s32 @p0 $0x1  }
0x13: {  	[smem:$0x3FB8] =	sst s0;
	s0 =	simm.s32 @!p1 $0x0  }
0x14: {  	s2 =	sld [smem:$0x3F9C];
	s0 =	simm.s32 @p1 $0x1  }
0x15: {  	[smem:$0x3FB9] =	sst s0;
	s0 =	simm.s32 @!p2 $0x0  }
0x16: {  	s3 =	sld [smem:$0x3FDB];
	s0 =	simm.s32 @p2 $0x1  }
0x17: {  	s4 =	simm.s32 $0x1BF5;
	[smem:$0x3FBB] =	sst s0  }
0x18: {  	s0 =	sld [smem:$0x3F9E];
	_ =	swait.ge [sflag:s4], $0x0  }
0x19: {  	s7 =	sld [smem:$0x3F9F]  }
0x1a: {  	s8 =	sadd.s32 $0xFFFFE003, lr  }
0x1b: {  	s9 =	sadd.s32 $0xFFFFFEF7, lr;
	s5 =	simm.s32 $0xFFFFFFFF;
	p2 =	slt.u32 s8, $0xFFFFF086  }
0x1c: {  	p1 =	slt.u32 s9, $0xF7A;
	s5 =	simm.s32 @!p2 $0x0  }
0x1d: {  	s5 =	simm.s32 @p1 $0x1;
	p0 =	seq.s32 s7, s2  }
0x1e: {  	s7 =	smul.u32 @!p0 $0xF7A, s2;
	p2 =	seq.s32 @!p0 s5, $0x0  }
0x1f: {  	s9 =	smul.u32 $0xF7A, s1;
	s8 =	simm.s32 @!p0 $0x1BF5;
	p2 =	por !p2, p0  }
0x20: {  	[sflag:s8] =	ssyncset.s32 @!p0 $0xFFFFF086;
	s6 =	sadd.s32 @!p0 s3, s7;
	s7 =	simm.s32 @!p0 $0x108  }
0x21: {  	s3 =	sadd.s32 s3, s9;
	s6 =	sadd.s32 @!p0 $0x88, s6;
	s7 =	simm.s32 @p2 $0x1082  }
0x22: {  	[simem:s7], [sflag:s8] =	dma.local @!p0 [hbm:s6], $0xF7A  }
0x23: {  	s9 =	sor.u32 $0xD0000000, s2;
	s6 =	simm.s32 $0x108;
	_ =	swait.ge @!p0 [sflag:s8], $0x0  }
0x24: {  	s3 =	sadd.s32 $0x88, s3;
	s6 =	simm.s32 @!p1 $0x1082;
	[sflag:s4] =	ssyncset.s32 $0xFFFFF086  }
0x25: {  	[simem:s6], [sflag:s4] =	dma.local [hbm:s3], $0xF7A  }
0x26: {  	[smem:$0x3F9F] =	sst s1;
	(tag) =	ssettag s2;
	_ =	strace s9  }
0x27: {  	s1 =	sld [smem:$0x3FAF]  }
0x28: {  	s2 =	sld [smem:$0x3FB0]  }
0x29: {  	s4 =	sld [smem:$0x3FB2]  }
0x2a: {  	p0 =	seq.s32 s5, $0x0;
	s5 =	sld [smem:$0x3FB3]  }
0x2b: {  	s6 =	sld [smem:$0x3FB4]  }
0x2c: {  	s7 =	sld [smem:$0x3FB5]  }
0x2d: {  	s3 =	simm.s32 $0x108;
	s8 =	sld [smem:$0x3FB6]  }
0x2e: {  	s3 =	simm.s32 @!p0 $0x1082;
	s9 =	sld [smem:$0x3FB7]  }
0x2f: {  	lr =	sadd.s32 s0, s3;
	s0 =	sld [smem:$0x3FAE]  }
0x30: {  	s3 =	sld [smem:$0x3FB1]  }
0x31: {  	[smem:$0x3FBA] =	sst s10  }
0x32: {  	s10 =	sld [smem:$0x3FB8];
	_ =	sdelay $0x3  }
0x33: {  	p0 =	seq.s32 s10, $0x1;
	s10 =	sld [smem:$0x3FBA];
	_ =	sdelay $0x3  }
0x34: {  	[smem:$0x3FBA] =	sst s10  }
0x35: {  	s10 =	sld [smem:$0x3FB9];
	_ =	sdelay $0x3  }
0x36: {  	p1 =	seq.s32 s10, $0x1;
	s10 =	sld [smem:$0x3FBA];
	_ =	sdelay $0x3  }
0x37: {  	[smem:$0x3FBA] =	sst s10  }
0x38: {  	s10 =	sld [smem:$0x3FBB]  }
0x39: {  	_ = 	snop;
	(pc) =	sbr.ind lr, $3  }
0x3a: {  	_ = 	snop  }
0x3b: {  	_ = 	snop  }
0x3c: {  	p2 =	seq.s32 s10, $0x1;
	s10 =	sld [smem:$0x3FBA]  }
0x3d: {  	_ =	shalt  }
0x3e: {  	_ =	shalt  }
0x3f: {  	_ =	shalt  }
0x40: {  	_ =	shalt  }
0x41: {  	_ =	shalt  }
0x42: {  	_ =	shalt  }
0x43: {  	_ =	shalt  }
0x44: {  	_ =	shalt  }
0x45: {  	_ =	shalt  }
0x46: {  	_ =	shalt  }
0x47: {  	_ =	shalt  }
0x48: {  	_ =	shalt  }
0x49: {  	_ =	shalt  }
0x4a: {  	_ =	shalt  }
0x4b: {  	_ =	shalt  }
0x4c: {  	_ =	shalt  }
0x4d: {  	_ =	shalt  }
0x4e: {  	_ =	shalt  }
0x4f: {  	_ =	shalt  }
0x50: {  	_ =	shalt  }
0x51: {  	_ =	shalt  }
0x52: {  	_ =	shalt  }
0x53: {  	_ =	shalt  }
0x54: {  	_ =	shalt  }
0x55: {  	_ =	shalt  }
0x56: {  	_ =	shalt  }
0x57: {  	_ =	shalt  }
0x58: {  	_ =	shalt  }
0x59: {  	_ =	shalt  }
0x5a: {  	_ =	shalt  }
0x5b: {  	_ =	shalt  }
0x5c: {  	_ =	shalt  }
0x5d: {  	_ =	shalt  }
0x5e: {  	_ =	shalt  }
0x5f: {  	_ =	shalt  }
0x60: {  	_ =	shalt  }
0x61: {  	_ =	shalt  }
0x62: {  	_ =	shalt  }
0x63: {  	_ =	shalt  }
0x64: {  	_ =	shalt  }
0x65: {  	_ =	shalt  }
0x66: {  	_ =	shalt  }
0x67: {  	_ =	shalt  }
0x68: {  	_ =	shalt  }
0x69: {  	_ =	shalt  }
0x6a: {  	_ =	shalt  }
0x6b: {  	_ =	shalt  }
0x6c: {  	_ =	shalt  }
0x6d: {  	_ =	shalt  }
0x6e: {  	_ =	shalt  }
0x6f: {  	_ =	shalt  }
0x70: {  	_ =	shalt  }
0x71: {  	_ =	shalt  }
0x72: {  	_ =	shalt  }
0x73: {  	_ =	shalt  }
0x74: {  	_ =	shalt  }
0x75: {  	_ =	shalt  }
0x76: {  	_ =	shalt  }
0x77: {  	_ =	shalt  }
0x78: {  	_ =	shalt  }
0x79: {  	_ =	shalt  }
0x7a: {  	_ =	shalt  }
0x7b: {  	_ =	shalt  }
0x7c: {  	_ =	shalt  }
0x7d: {  	_ =	shalt  }
0x7e: {  	_ =	shalt  }
0x7f: {  	_ =	shalt  }
0x80: {  	_ =	shalt  }
0x81: {  	_ =	shalt  }
0x82: {  	_ =	shalt  }
0x83: {  	_ =	shalt  }
0x84: {  	_ =	shalt  }
0x85: {  	_ =	shalt  }
0x86: {  	_ =	shalt  }
0x87: {  	_ =	shalt  }
.Lfunc_end0:
.L_simem_size_0:
called_computation_lowered:
.L_overlay_start_0:
0x88: {  	s2 =	sld [smem:$0x3FD9]  }
0x89: {  	s3 =	sld [smem:$0x3FFE];
	_ =	sdelay $0x1  }
0x8a: {  	s1 =	srdreg.scid  }
0x8b: {  	s0 =	sand.u32 $0x1, s1  }
0x8c: {  	s17 =	sshll.u32 s0, $0xA;
	s2 =	sadd.s32 s3, s2  }
0x8d: {  	s2 =	sadd.s32 s2, s17  }
0x8e: {  	[smem:$0x3FC6] =	sst s2  }
0x8f: {  	_ = 	snop  }
0x90: {  	s2 =	sld [smem:$0x3FD0];
	(tm) =	ssettm $0x1  }
0x91: {  	s18 =	sld [smem:$0x3FFB];
	_ =	sdelay $0x3  }
0x92: {  	_ =	strace s18  }
0x93: {  	s3 =	sld [smem:$0x3FFC];
	_ =	sdelay $0x3  }
0x94: {  	_ =	strace s3  }
0x95: {  	s3 =	sld [smem:$0x3FFD];
	_ =	sdelay $0x3  }
0x96: {  	_ =	strace s3  }
0x97: {  	_ =	strace $0x8FFFFFFF  }
0x98: {  	s19 =	sld [smem:$0x3FDB];
	_ =	sdelay $0x1  }
0x99: {  	s4 =	simm.s32 $_scs_section_size  }
0x9a: {  	s5 =	simm.s32 $_size__tile_overlayer_lowered;
	s6 =	simm.s32 $_tile_overlayer_lowered  }
0x9b: {  	s22 =	simm.s32 $0x1BFF;
	s21 =	sshll.u32 s6, $0x1;
	s3 =	sadd.s32 s4, s19  }
0x9c: {  	s7 =	simm.s32 $0x0;
	s20 =	sshll.u32 s5, $0x1;
	s5 =	sadd.s32 s21, s3  }
0x9d: {  	[timem:s7], [sflag:s22] =	dma.local [hbm:s5], s20  }
0x9e: {  	_ =	swait.ge [sflag:s22], s20  }
0x9f: {  	s4 =	ssub.s32 $0x0, s20;
	[sflag:s22] =	ssyncset.done $0x0  }
0xa0: {  	[sflag:s22] =	ssyncadd.s32 s4;
	_ =	sdelay $0x1  }
0xa1: {  	s23 =	simm.s32 $0x1B8B  }
0xa2: {  	_ =	swait.ge [sflag:s23], $0x1  }
0xa3: {  	[sflag:s23] =	ssyncset.done $0x0  }
0xa4: {  	s25 =	simm.s32 $0x1B8E;
	s24 =	sld [smem:$0x3FFE];
	[sflag:s23] =	ssyncadd.s32 $0xFFFFFFFF  }
0xa5: {  	s26 =	simm.s32 $execute0_lowered;
	[smem:$0x3FD2] =	sst s25  }
0xa6: {  	s5 =	sshll.u32 s26, $0x1;
	_ =	strace $0x80000046;
	[dreg:$0x1] =	wrdreg $0xFFFFFFFF  }
0xa7: {  	s28 =	simm.s32 $_size_execute0_lowered;
	s3 =	sadd.s32 s3, s5;
	[dreg:$0x0] =	wrdreg $0x0  }
0xa8: {  	s5 =	sshll.u32 s28, $0x1;
	[dreg:$0x2] =	wrdreg s3  }
0xa9: {  	[dreg:$0x3] =	wrdreg s5  }
0xaa: {  	[dreg:$0x4] =	wrdreg $0xC0  }
0xab: {  	_ =	task [dreg:s7], $0x5FFFF  }
0xac: {  	[dreg:$0x1] =	wrdreg $0xFFFFFFFF  }
0xad: {  	[dreg:$0x0] =	wrdreg $0x60  }
0xae: {  	[dreg:$0x2] =	wrdreg s24  }
0xaf: {  	[dreg:$0x3] =	wrdreg s2  }
0xb0: {  	[dreg:$0x4] =	wrdreg $0x9  }
0xb1: {  	_ =	task.clear_ibuf [dreg:s7], $0x5FFFF;
	_ =	strace $0x90000046  }
0xb2: {  	s29 =	simm.s32 $0x9;
	_ =	strace $0x80000048  }
0xb3: {  	_ =	swait.ge [sflag:s29], $0x1  }
0xb4: {  	[sflag:s29] =	ssyncadd.s32 $0xFFFFFFFF  }
0xb5: {  	_ =	strace $0x90000048  }
0xb6: {  	_ =	sfence  }
0xb7: {  	s30 =	sld [smem:$0x0];
	_ =	sdelay $0x2  }
0xb8: {  	s31 =	sshll.u32 s1, $0xD;
	s1 =	sshrl.u32 s1, $0x2  }
0xb9: {  	s3 =	sand.u32 $0x4000, s31;
	s1 =	sadd.s32 s1, s30  }
0xba: {  	s0 =	sor.u32 s3, s0;
	s1 =	sshll.u32 s1, $0x11  }
0xbb: {  	s0 =	sor.u32 s1, s0  }
0xbc: {  	s0 =	sadd.s32 $0x8F2B, s0  }
0xbd: {  	[sflag:s0] =	ssyncadd.remote.s32 $0x1  }
0xbe: {  	_ =	sfence.sel $0xFFFF  }
0xbf: {  	[dreg:$0x0] =	wrdreg $0xFFFFFFFF;
	(pc) =	sbr.abs _section_cstart, $3  }
0xc0: {  	[dreg:$0x1] =	wrdreg $0xFFFFFFFF  }
0xc1: {  	_ =	task.clear_ibuf [dreg:s7], $0x2FFFF;
	_ =	strace $0x9FFFFFFF  }
0xc2: {  	(tm) =	ssettm $0x7FFFFFFF  }
0xc3: {  	_ =	shalt  }
tec
execute0_lowered:
.L_overlay_start_1:
0x0: {  	(tag) =	ssettag $0x1  }
0x1: {  	s0 =	rddreg [dreg:$0x0]  }
0x2: {  	v0 =	vimm.s32 $0x8040201;
	v1 =	vimm.s32 $0x80402010;
	s1 =	rddreg [dreg:$0x1];
	s2 =	srdreg.scid;
	vm0 =	vcmask $0xF00  }
0x3: {  	s3 =	simm.s32 $0x0;
	s5 =	stileid.u32;
	vm4 =	vcmask $0x2320;
	vm2 =	vcmask $0x2B28;
	vm1 =	vcmask $0x3700;
	s17 =	simm.s32 $0x1000  }
0x4: {  	vm3 =	vcmask $0x2F2C;
	s28 =	simm.s32 $0x3;
	s29 =	simm.s32 $0xA;
	s30 =	simm.s32 $0x8;
	v0 =	vunpack.c.0.s8.s32 v0;
	v1 =	vunpack.c.0.s8.s32 v1  }
0x5: {  	vm5 =	vcmask $0x3330;
	v3 =	vimm.s32 $0x167;
	vm7 =	vcmask $0x1F00;
	s31 =	simm.s32 $0x4;
	s2 =	sand.u32 $0x1, s2;
	[smem:$0x7FF] =	sst s3  }
0x6: {  	s5 =	sshll.u32 s5, $0x9;
	s6 =	sadd.s32 $0xC0E00, s0;
	s7 =	sadd.s32 $0xC0800, s0;
	v0 =	vnsel vm0, $0x8000, v0;
	v1 =	vand.u32 $0xFF, v1;
	vm0 =	vcmask $0x1F10  }
0x7: {  	vm6 =	vcmask $0x3734;
	v5 =	vimm.s32 $0x8040210;
	s4 =	sshll.u32 s2, $0xD;
	_ =	strace $0x80000047;
	s2 =	ssub.s32 $0x2, s2;
	v0 =	vsel vm0, v1, v0  }
0x8: {  	v3 =	vsel vm7, $0x15F, v3;
	s9 =	sor.u32 s5, s4;
	s5 =	sadd.s32 $0x800, s0;
	s8 =	sshrl.u32 s2, $0x1;
	vm0 =	vcmask $0x2724;
	v1 =	vsel vm4, $0x100, v0  }
0x9: {  	v5 =	vunpack.c.0.s8.s32 v5;
	v3 =	vsel vm4, $0x160, v3;
	s4 =	sshrl.u32 s9, $0x3;
	s21 =	ssub.s32 s2, s8;
	s22 =	sshll.u32 s9, $0x4;
	v1 =	vsel vm0, $0x200, v1  }
0xa: {  	s23 =	sor.u32 $0x20, s9;
	s24 =	sor.u32 $0x40, s9;
	[dreg:$0x3] =	wrdreg s9;
	v0 =	vimm.s32 $0x0;
	v3 =	vsel vm0, $0x161, v3;
	v1 =	vsel vm2, $0x400, v1  }
0xb: {  	s25 =	sor.u32 $0x60, s9;
	s26 =	sor.u32 $0x80, s9;
	[dreg:$0x6] =	wrdreg s23;
	v2 =	vsel vm1, $0xFFFF, v0;
	vm1 =	vcmask $0x3B38;
	v1 =	vsel vm3, $0x800, v1  }
0xc: {  	s8 =	simm.s32 $0x9;
	s4 =	smul.u32 $0x180, s4;
	[dreg:$0x7] =	wrdreg s24;
	vm0 =	vcmask $0x2300;
	v3 =	vsel vm2, $0x162, v3;
	v4 =	vsel vm5, $0x1000, v1  }
.Ltmp0:
0xd: {  	s9 =	simm.s32 $0x0;
	[dreg:$0x8] =	wrdreg s25;
	v1 =	vsel vm1, $0xFF, v2;
	v2 =	vsel vm6, $0x2000, v4;
	v4 =	vimm.s32 $0x80;
	(pc) =	sbr.rel .LBB2_1-.Ltmp0, $4  }
0xe: {  	s2 =	sadd.s32 s1, s22;
	[dreg:$0x9] =	wrdreg s26;
	s0 =	smax.u32 s21, $0x1;
	v3 =	vsel vm3, $0x163, v3;
	v4 =	vsel vm0, $0x1, v4;
	vm0 =	vcmask $0x3324  }
0xf: {  	s21 =	simm.s32 $0x2000;
	s25 =	simm.s32 $0x3000;
	[dreg:$0x5] =	wrdreg s2;
	v2 =	vsel vm1, $0x4000, v2;
	v4 =	vsel vm0, v5, v4;
	v5 =	vsel vm5, $0x164, v3  }
0x10: {  	s26 =	simm.s32 $0x7;
	[dreg:$0xa] =	wrdreg s0;
	s4 =	sadd.s32 s5, s4;
	v3 =	vlaneseq.u32;
	v4 =	vsel vm6, $0x20, v4;
	v5 =	vsel vm6, $0x165, v5  }
0x11: {  	s0 =	simm.s32 $0x10000;
	s2 =	simm.s32 $0x10C00;
	[dreg:$0x4] =	wrdreg s4;
	vm0 =	vcmask $0x3F20;
	v4 =	vsel vm1, $0x40, v4;
	v5 =	vsel vm1, $0x166, v5  }
.LBB2_59:
0x12: {  	_ =	swait.ge [sflag:s29], $0x3000  }
0x13: {  	[sflag:s29] =	ssyncset.done $0x0  }
0x14: {  	[sflag:s29] =	ssyncadd.s32 $0xFFFFD000  }
0x15: {  	_ =	swait.ge [sflag:s29], $0x3000  }
0x16: {  	[sflag:s29] =	ssyncset.done $0x0  }
0x17: {  	[sflag:s29] =	ssyncadd.s32 $0xFFFFD000  }
0x18: {  	_ =	swait.ge [sflag:s29], $0x3000  }
0x19: {  	s9 =	rddreg [dreg:$0xb]  }
0x1a: {  	s4 =	rddreg [dreg:$0xa];
	s9 =	sadd.s32 $0x1, s9  }
0x1b: {  	p0 =	sne.s32 s9, s4  }
.Ltmp1:
0x1c: {  	_ = 	snop;
	(pc) =	sbr.rel @!p0 .LBB2_60-.Ltmp1, $3  }
0x1d: {  	_ =	sdelay $0x1  }
0x1e: {  	[sflag:s29] =	ssyncset.done $0x0  }
0x1f: {  	[sflag:s29] =	ssyncadd.s32 $0xFFFFD000  }
.LBB2_1:
.Ltmp2:
0x20: {  	[dreg:$0xb] =	wrdreg s9;
	(pc) =	sbr.rel .LBB2_2-.Ltmp2, $4  }
0x21: {  	s4 =	rddreg [dreg:$0x4];
	s23 =	simm.s32 $0x4000  }
0x22: {  	[tilespmem:s23], [sflag:$0x5] =	stream.linear.gather [hbm4b:s4+s3], $0x3000, $0x38;
	[tilespmem:$0x10D80] =	vst v63  }
0x23: {  	s24 =	rddreg [dreg:$0x5];
	s14 =	simm.s32 $0x0  }
0x24: {  	[tilespmem:s3], [sflag:$0x1] =	stream.linear.gather [hbm4b:s24+s3], $0x1000, $0x38;
	[tilespmem:$0x10D80] =	vst v63  }
.LBB2_57:
0x25: {  	s4 =	smov.u32 s7  }
.LBB2_58:
0x26: {  	s14 =	sadd.s32 $0x1, s14  }
0x27: {  	p0 =	sne.s32 s14, $0x4  }
.Ltmp3:
0x28: {  	_ = 	snop;
	(pc) =	sbr.rel @!p0 .LBB2_59-.Ltmp3, $3  }
0x29: {  	_ =	sdelay $0x1  }
0x2a: {  	s9 =	simm.s32 $0xD000  }
0x2b: {  	[hbm4b:s4+s3] =	stream.linear.scatter [tilespmem:s9], [sflag:$0xA], $0x3000, $0x38;
	[tilespmem:$0x10D80] =	vst v63  }
.LBB2_2:
0x2c: {  	s9 =	sshll.u32 s14, $0x7;
	s4 =	rddreg [dreg:$0x6]  }
0x2d: {  	p0 =	seq.s32 s14, $0x0;
	s4 =	sadd.s32 s4, s9  }
0x2e: {  	s11 =	simm.s32 @!p0 $0xA;
	s15 =	sshrl.u32 s4, $0x3  }
0x2f: {  	_ =	swait.ge @!p0 [sflag:s11], $0x3000;
	s10 =	smul.u32 $0x180, s15  }
0x30: {  	s12 =	simm.s32 $0x0;
	s13 =	simm.s32 $0x7000;
	[sflag:s11] =	ssyncset.done @!p0 $0x0  }
0x31: {  	s4 =	sshll.u32 s4, $0x4;
	[sflag:s11] =	ssyncadd.s32 @!p0 $0xFFFFD000;
	s19 =	sadd.s32 s5, s10  }
0x32: {  	[tilespmem:s13], [sflag:$0x6] =	stream.linear.gather [hbm4b:s19+s12], $0x3000, $0x38;
	[tilespmem:$0x10D80] =	vst v63  }
0x33: {  	s20 =	simm.s32 $0x5;
	s4 =	sadd.s32 s1, s4  }
0x34: {  	[tilespmem:s17], [sflag:$0x2] =	stream.linear.gather [hbm4b:s4+s12], $0x1000, $0x38;
	[tilespmem:$0x10D80] =	vst v63  }
0x35: {  	_ =	swait.ge [sflag:s20], $0x3000  }
0x36: {  	[sflag:s20] =	ssyncset.done $0x0  }
0x37: {  	s22 =	simm.s32 $0x1;
	[sflag:s20] =	ssyncadd.s32 $0xFFFFD000  }
0x38: {  	_ =	swait.ge [sflag:s22], $0x1000  }
0x39: {  	[sflag:s22] =	ssyncset.done $0x0  }
0x3a: {  	s23 =	simm.s32 $0x0;
	[sflag:s22] =	ssyncadd.s32 $0xFFFFF000  }
0x3b: {  	s24 =	rddreg [dreg:$0x3];
	v6 =	vld [tilespmem:s23+$0x0]  }
0x3c: {  	v7 =	vimm.s32 $0x0;
	s11 =	simm.s32 $0x200;
	s4 =	sor.u32 s24, s9;
	v8 =	vld [tilespmem:s23+$0x8]  }
.LBB2_3:
0x3d: {  	p1 =	sne.s32 s11, $0x3E00  }
.Ltmp4:
0x3e: {  	_ = 	snop;
	(pc) =	sbr.rel @p1 .LBB2_3-.Ltmp4, $4  }
0x3f: {  	_ = 	snop  }
0x40: {  	s12 =	sshra.s32 s11, $0x2;
	s11 =	sadd.s32 $0x200, s11;
	v9 =	vxor.u32 $0xFFFF, v6  }
0x41: {  	v6 =	vld [tilespmem:s12+$0x0];
	v10 =	vxor.u32 v1, v8;
	v7 =	vor.u32 v7, v9  }
0x42: {  	v8 =	vld [tilespmem:s12+$0x8];
	v7 =	vor.u32 v10, v7  }
0x43: {  	_ =	sdelay $0x2  }
0x44: {  	v6 =	vxor.u32 $0xFFFF, v6  }
0x45: {  	v8 =	vxor.u32 v1, v8;
	v6 =	vor.u32 v7, v6  }
0x46: {  	v6 =	vor.u32 v8, v6  }
0x47: {  	v6 =	vxor.u32 $0x80000000, v6  }
0x48: {  	(xrf0) =	vmax.scan.msk.u32 $0xffff, v6;
	_ =	sdelay $0x5  }
0x49: {  	v6, _, _ =	vpop (xrf0)  }
0x4a: {  	(v2sf) =	vpush v6, $0xF;
	_ =	sdelay $0xe  }
0x4b: {  	s11 =	spop (v2sf)  }
0x4c: {  	p1 =	sne.s32 s11, $0x80000000  }
.Ltmp5:
0x4d: {  	_ = 	snop;
	(pc) =	sbr.rel @p1 .LBB2_6-.Ltmp5, $2  }
0x4e: {  	_ =	sdelay $0x2  }
0x4f: {  	s4 =	sshrl.u32 s4, $0x3;
	s11 =	simm.s32 $0x0  }
.Ltmp6:
0x50: {  	(pc) =	sbr.rel .LBB2_16-.Ltmp6, $3  }
0x51: {  	_ = 	snop  }
0x52: {  	s4 =	smul.u32 $0x180, s4;
	_ =	sdelay $0x1  }
0x53: {  	s4 =	sadd.s32 s6, s4  }
.LBB2_14:
0x54: {  	s12 =	sadd.s32 s4, s11  }
0x55: {  	s11 =	sadd.s32 $0x1, s11;
	s12 =	smul.u32 $0x180, s12  }
0x56: {  	p1 =	sne.s32 s11, $0x4  }
.Ltmp7:
0x57: {  	s12 =	sadd.s32 s6, s12;
	(pc) =	sbr.rel @!p1 .LBB2_15-.Ltmp7, $4  }
0x58: {  	[hbm4b:s12+s3] =	stream.linear.scatter [tilespmem:s0], [sflag:$0x9], $0xC00, $0x38;
	[tilespmem:$0x10D80] =	vst v63  }
0x59: {  	_ =	swait.ge [sflag:s8], $0xC00  }
0x5a: {  	[sflag:s8] =	ssyncset.done $0x0  }
0x5b: {  	[sflag:s8] =	ssyncadd.s32 $0xFFFFF400  }
.LBB2_6:
.Ltmp8:
0x5c: {  	(pc) =	sbr.rel .LBB2_7-.Ltmp8, $3  }
0x5d: {  	s12 =	smul.u32 $0x3000, s11;
	_ =	sdelay $0x1  }
0x5e: {  	s13 =	sshra.s32 s12, $0x2  }
0x5f: {  	s16 =	simm.s32 $0x0;
	s12 =	sshll.u32 s11, $0x3;
	s13 =	sadd.s32 $0x4000, s13  }
.LBB2_13:
0x60: {  	s16 =	sadd.s32 $0x1, s16  }
0x61: {  	p1 =	sne.s32 s16, $0x8  }
.Ltmp9:
0x62: {  	_ = 	snop;
	(pc) =	sbr.rel @!p1 .LBB2_14-.Ltmp9, $1  }
0x63: {  	_ =	sdelay $0x3  }
.LBB2_7:
0x64: {  	s18 =	sadd.s32 s12, s16;
	s24 =	simm.s32 $0x0  }
0x65: {  	s18 =	sshll.u32 s18, $0x7;
	v6 =	vmov s24  }
0x66: {  	v7 =	vmov s18;
	v6 =	vand.u32 $0x7F, v6  }
0x67: {  	v6 =	vadd.s32 v7, v6  }
0x68: {  	v6 =	vbroadcast v6, $0x0;
	_ =	sdelay $0x5  }
0x69: {  	v6 =	vld.idx.msk [tilespmem:v6+s3+$0x0], $0xffff;
	_ =	sdelay $0x4  }
0x6a: {  	v10 =	vand.u32 v2, v6  }
0x6b: {  	vm1 =	vne.s32 v10, $0x0  }
0x6c: {  	v6 =	vsel vm1, $0x1, v0  }
0x6d: {  	(xrf0) =	vadd.scan.msk.s32 $0xffff, v6;
	_ =	sdelay $0x5  }
0x6e: {  	v8 =	vimm.s32 $0x0;
	v6, _, _ =	vpop (xrf0)  }
0x6f: {  	v9 =	vmov s16;
	s20 =	sshll.u32 s16, $0x7;
	s22 =	simm.s32 $0x1;
	v12 =	vmpcnt.ones.xlane vm1;
	v11 =	vadd.s32 v8, v6  }
0x70: {  	v13 =	vmov s22;
	s18 =	sand.u32 $0x3FFFFF80, s20;
	v6 =	vshll.u32 v9, $0x7;
	v9 =	vadd.s32 $0xFFFFFFFF, v11  }
0x71: {  	s19 =	sand.u32 $0xC00, s24;
	s20 =	sadd.s32 s18, s13;
	v8 =	vadd.s32 v8, v12;
	v6 =	vbroadcast v6, $0x0;
	v12 =	vshll.u32 v9, $0x3  }
0x72: {  	s23 =	sand.u32 $0x70, s24;
	v13 =	vand.u32 $0x7F, v13;
	s22 =	sadd.s32 s19, s20;
	v15 =	vand.u32 $0xFFFFFC00, v12  }
0x73: {  	s18 =	simm.s32 $0x0;
	s19 =	simm.s32 $0x2;
	s22 =	sadd.s32 s23, s22;
	v14 =	vand.u32 $0x7F, v9;
	v12 =	vor.u32 s24, v3;
	v15 =	vadd.s32 v6, v15;
	v9 =	vmovc v8  }
.LBB2_8:
0x74: {  	p1 =	sne.s32 s19, $0x15;
	v13 =	vadd.s32 v7, v13;
	v16 =	vld [tilespmem:s22+$0x0];
	vm2 =	veq.s32 v10, $0x0;
	v10 =	vor.u32 v14, v15  }
0x75: {  	v11 =	vsub.s32 v12, v11;
	v13 =	vbroadcast v13, $0x0;
	_ =	sdelay $0x3  }
0x76: {  	[tilespmem:v10+s0+$0x0] =	vst.idx.msk vm1, v16  }
0x77: {  	[tilespmem:v11+s2+$0x0] =	vst.idx.msk vm2, v16  }
0x78: {  	v10 =	vld.idx.msk [tilespmem:v13+s3+$0x0], $0xffff;
	_ =	sdelay $0x5  }
0x79: {  	v10 =	vand.u32 v2, v10  }
0x7a: {  	vm1 =	vne.s32 v10, $0x0  }
0x7b: {  	v11 =	vsel vm1, $0x1, v0;
	v12 =	vmpcnt.ones.xlane vm1  }
0x7c: {  	(xrf0) =	vadd.scan.msk.s32 $0xffff, v11  }
0x7d: {  	v8 =	vadd.s32 v8, v12;
	_ =	sdelay $0x4  }
0x7e: {  	v11, _, _ =	vpop (xrf0)  }
.Ltmp10:
0x7f: {  	v11 =	vadd.s32 v9, v11;
	v9 =	vmov v8;
	(pc) =	sbr.rel @p1 .LBB2_8-.Ltmp10, $4  }
0x80: {  	s24 =	sadd.s32 $0x80, s24;
	v14 =	vadd.s32 $0xFFFFFFFF, v11  }
0x81: {  	s18 =	sadd.s32 $0x10, s18;
	s22 =	sand.u32 $0xC00, s24;
	v12 =	vshll.u32 v14, $0x3  }
0x82: {  	s23 =	sand.u32 $0x70, s18;
	s22 =	sadd.s32 s22, s20;
	v13 =	vmov s19;
	v15 =	vand.u32 $0xFFFFFC00, v12;
	v12 =	vor.u32 s18, v3  }
0x83: {  	s22 =	sadd.s32 s23, s22;
	s19 =	sadd.s32 $0x1, s19;
	v13 =	vand.u32 $0x7F, v13;
	v14 =	vand.u32 $0x7F, v14;
	v15 =	vadd.s32 v6, v15  }
0x84: {  	v13 =	vadd.s32 v7, v13;
	v16 =	vld [tilespmem:s22+$0x0];
	vm2 =	veq.s32 v10, $0x0;
	v52 =	vor.u32 v14, v15  }
0x85: {  	v11 =	vsub.s32 v12, v11;
	v13 =	vbroadcast v13, $0x0;
	_ =	sdelay $0x3  }
0x86: {  	[tilespmem:v52+s0+$0x0] =	vst.idx.msk vm1, v16  }
0x87: {  	[tilespmem:v11+s2+$0x0] =	vst.idx.msk vm2, v16  }
0x88: {  	v10 =	vld.idx.msk [tilespmem:v13+s3+$0x0], $0xffff;
	_ =	sdelay $0x4  }
0x89: {  	v10 =	vand.u32 v2, v10  }
0x8a: {  	vm1 =	vne.s32 v10, $0x0  }
0x8b: {  	v53 =	vsel vm1, $0x1, v0  }
0x8c: {  	(xrf0) =	vadd.scan.msk.s32 $0xffff, v53;
	_ =	sdelay $0x5  }
0x8d: {  	v11, _, _ =	vpop (xrf0)  }
0x8e: {  	v9 =	vadd.s32 v9, v11  }
0x8f: {  	s19 =	sadd.s32 $0x80, s24;
	v11 =	vadd.s32 $0xFFFFFFFF, v9  }
0x90: {  	s18 =	sadd.s32 $0x10, s18;
	s19 =	sand.u32 $0xC00, s19;
	v54 =	vshll.u32 v11, $0x3  }
0x91: {  	s24 =	sand.u32 $0x70, s18;
	s19 =	sadd.s32 s19, s20;
	v12 =	vand.u32 $0xFFFFFC00, v54  }
0x92: {  	v7 =	vadd.s32 $0x16, v7;
	s23 =	sadd.s32 s24, s19;
	v11 =	vand.u32 $0x7F, v11;
	v12 =	vadd.s32 v6, v12  }
0x93: {  	v55 =	vor.u32 s18, v3;
	v56 =	vld [tilespmem:s23+$0x0];
	vm2 =	veq.s32 v10, $0x0;
	v57 =	vor.u32 v11, v12  }
0x94: {  	v7 =	vbroadcast v7, $0x0;
	v9 =	vsub.s32 v55, v9;
	_ =	sdelay $0x3  }
0x95: {  	[tilespmem:v57+s0+$0x0] =	vst.idx.msk vm1, v56  }
0x96: {  	s19 =	simm.s32 $0x0;
	[tilespmem:v9+s2+$0x0] =	vst.idx.msk vm2, v56  }
0x97: {  	v7 =	vld.idx.msk [tilespmem:v7+s19+$0x0], $0xffff;
	_ =	sdelay $0x4  }
0x98: {  	v7 =	vand.u32 v4, v7  }
0x99: {  	vm2 =	vne.s32 v7, $0x0  }
0x9a: {  	v7 =	vmpcnt.ones.xlane vm1;
	vm1 =	vmand vm2, vm0  }
0x9b: {  	v58 =	vmpcnt.ones.xlane vm1  }
0x9c: {  	v8 =	vadd.s32 v8, v7  }
0x9d: {  	v59 =	vsel vm1, $0x1, v0;
	v7 =	vadd.s32 v8, v58  }
0x9e: {  	(xrf0) =	vadd.scan.msk.s32 $0xffff, v59;
	v9 =	vsub.s32 $0x80000168, v7  }
0x9f: {  	(xrf0) =	vmax.scan.msk.u32 $0xffff, v9;
	_ =	sdelay $0x4  }
0xa0: {  	v60, _, _ =	vpop (xrf0)  }
0xa1: {  	v61, _, _ =	vpop (xrf0)  }
0xa2: {  	(v2sf) =	vpush v61, $0xF;
	_ =	sdelay $0x9  }
0xa3: {  	v8 =	vadd.s32 v8, v60  }
0xa4: {  	v9 =	vadd.s32 $0xFFFFFFFF, v8  }
0xa5: {  	v62 =	vshll.u32 v9, $0x3  }
0xa6: {  	v9 =	vand.u32 $0x7F, v9;
	v10 =	vand.u32 $0xFFFFFC00, v62  }
0xa7: {  	v9 =	vor.u32 v10, v9  }
0xa8: {  	v63 =	vld [tilespmem:s20+$0x858];
	vm2 =	vmxor vm1, vm0;
	v9 =	vor.u32 v6, v9;
	s24 =	spop (v2sf)  }
0xa9: {  	v8 =	vsub.s32 v5, v8;
	p1 =	slt.u32 s24, $0x80000001  }
.Ltmp11:
0xaa: {  	_ = 	snop;
	(pc) =	sbr.rel @p1 .LBB2_13-.Ltmp11, $3  }
0xab: {  	_ =	sdelay $0x1  }
0xac: {  	s18 =	simm.s32 $0x10C00;
	[tilespmem:v9+s0+$0x0] =	vst.idx.msk vm1, v63  }
0xad: {  	[tilespmem:v8+s18+$0x0] =	vst.idx.msk vm2, v63  }
0xae: {  	v10 =	vor.u32 s19, v3  }
0xaf: {  	v9 =	vadd.s32 v7, v10  }
0xb0: {  	s24 =	simm.s32 $0x10;
	vm1 =	vlt.s32 v9, $0x167  }
0xb1: {  	v8 =	vor.u32 s24, v3;
	v11 =	vnsel vm1, $0x167, v9  }
0xb2: {  	v12 =	vadd.s32 v7, v8;
	v9 =	vsub.s32 $0x168, v7;
	v13 =	vshll.u32 v11, $0x3  }
0xb3: {  	vm1 =	vlt.s32 v12, $0x167;
	v11 =	vand.u32 $0x7F, v11;
	v13 =	vand.u32 $0xFFFFFC00, v13  }
0xb4: {  	v12 =	vnsel vm1, $0x167, v12;
	vm1 =	vlt.s32 v10, v9;
	v11 =	vor.u32 v13, v11  }
0xb5: {  	v10 =	vld [tilespmem:s18+$0x0];
	v11 =	vor.u32 v6, v11;
	_ =	sdelay $0x2  }
0xb6: {  	v13 =	vshll.u32 v12, $0x3  }
0xb7: {  	s19 =	simm.s32 $0x20;
	v12 =	vand.u32 $0x7F, v12;
	v13 =	vand.u32 $0xFFFFFC00, v13  }
.LBB2_11:
0xb8: {  	p1 =	sne.s32 s19, $0x160;
	v12 =	vor.u32 v13, v12;
	[tilespmem:v11+s0+$0x0] =	vst.idx.msk vm1, v10;
	vm1 =	vlt.s32 v8, v9;
	v8 =	vor.u32 s19, v3;
	s19 =	sadd.s32 $0x10, s19;
	s18 =	sadd.s32 $0x10, s18  }
.Ltmp12:
0xb9: {  	v13 =	vadd.s32 v7, v8;
	v10 =	vld [tilespmem:s18+$0x0];
	v11 =	vor.u32 v6, v12;
	(pc) =	sbr.rel @p1 .LBB2_11-.Ltmp12, $4  }
0xba: {  	vm2 =	vlt.s32 v13, $0x167  }
0xbb: {  	v12 =	vnsel vm2, $0x167, v13  }
0xbc: {  	v13 =	vshll.u32 v12, $0x3  }
0xbd: {  	v12 =	vand.u32 $0x7F, v12;
	v13 =	vand.u32 $0xFFFFFC00, v13  }
0xbe: {  	_ =	sdelay $0x4  }
0xbf: {  	vm2 =	vlt.s32 v8, v9;
	v7 =	vor.u32 v13, v12;
	[tilespmem:v11+s0+$0x0] =	vst.idx.msk vm1, v10;
	s18 =	sadd.s32 $0x10, s18  }
0xc0: {  	v63 =	vld [tilespmem:s18+$0x0];
	v6 =	vor.u32 v6, v7  }
.Ltmp13:
0xc1: {  	_ = 	snop;
	(pc) =	sbr.rel .LBB2_13-.Ltmp13, $2  }
0xc2: {  	_ =	sdelay $0x2  }
0xc3: {  	[tilespmem:v6+s0+$0x0] =	vst.idx.msk vm2, v63  }
.LBB2_15:
0xc4: {  	s4 =	smov.u32 s7  }
.LBB2_16:
0xc5: {  	s11 =	simm.s32 $0x4000;
	s19 =	rddreg [dreg:$0x7]  }
0xc6: {  	[hbm4b:s4+s3] =	stream.linear.scatter [tilespmem:s11], [sflag:$0xA], $0x3000, $0x38;
	[tilespmem:$0x10D80] =	vst v63  }
0xc7: {  	s12 =	sadd.s32 s19, s9  }
0xc8: {  	s13 =	simm.s32 @!p0 $0xA;
	s4 =	sshrl.u32 s12, $0x3  }
0xc9: {  	_ =	swait.ge @!p0 [sflag:s13], $0x3000;
	s11 =	smul.u32 $0x180, s4  }
0xca: {  	s16 =	simm.s32 $0x0;
	s18 =	simm.s32 $0xA000;
	[sflag:s13] =	ssyncset.done @!p0 $0x0  }
0xcb: {  	s12 =	sshll.u32 s12, $0x4;
	[sflag:s13] =	ssyncadd.s32 @!p0 $0xFFFFD000;
	s20 =	sadd.s32 s5, s11  }
0xcc: {  	[tilespmem:s18], [sflag:$0x7] =	stream.linear.gather [hbm4b:s20+s16], $0x3000, $0x38;
	[tilespmem:$0x10D80] =	vst v63  }
0xcd: {  	s22 =	simm.s32 $0x6;
	s12 =	sadd.s32 s1, s12  }
0xce: {  	[tilespmem:s21], [sflag:$0x3] =	stream.linear.gather [hbm4b:s12+s16], $0x1000, $0x38;
	[tilespmem:$0x10D80] =	vst v63  }
0xcf: {  	_ =	swait.ge [sflag:s22], $0x3000  }
0xd0: {  	[sflag:s22] =	ssyncset.done $0x0  }
0xd1: {  	s23 =	simm.s32 $0x2;
	[sflag:s22] =	ssyncadd.s32 $0xFFFFD000  }
0xd2: {  	_ =	swait.ge [sflag:s23], $0x1000  }
0xd3: {  	[sflag:s23] =	ssyncset.done $0x0  }
0xd4: {  	s24 =	simm.s32 $0x0;
	[sflag:s23] =	ssyncadd.s32 $0xFFFFF000  }
0xd5: {  	v6 =	vld [tilespmem:s24+$0x1000]  }
0xd6: {  	v7 =	vimm.s32 $0x0;
	s12 =	simm.s32 $0x200;
	v8 =	vld [tilespmem:s24+$0x1008]  }
.LBB2_17:
0xd7: {  	p1 =	sne.s32 s12, $0x3E00  }
.Ltmp14:
0xd8: {  	_ = 	snop;
	(pc) =	sbr.rel @p1 .LBB2_17-.Ltmp14, $4  }
0xd9: {  	_ = 	snop  }
0xda: {  	s13 =	sshra.s32 s12, $0x2;
	s12 =	sadd.s32 $0x200, s12;
	v9 =	vxor.u32 $0xFFFF, v6  }
0xdb: {  	v6 =	vld [tilespmem:s13+$0x1000];
	v10 =	vxor.u32 v1, v8;
	v7 =	vor.u32 v7, v9  }
0xdc: {  	v8 =	vld [tilespmem:s13+$0x1008];
	v7 =	vor.u32 v10, v7  }
0xdd: {  	_ =	sdelay $0x2  }
0xde: {  	v6 =	vxor.u32 $0xFFFF, v6  }
0xdf: {  	v8 =	vxor.u32 v1, v8;
	v6 =	vor.u32 v7, v6  }
0xe0: {  	v6 =	vor.u32 v8, v6  }
0xe1: {  	v6 =	vxor.u32 $0x80000000, v6  }
0xe2: {  	(xrf0) =	vmax.scan.msk.u32 $0xffff, v6;
	_ =	sdelay $0x5  }
0xe3: {  	v6, _, _ =	vpop (xrf0)  }
0xe4: {  	(v2sf) =	vpush v6, $0xF;
	_ =	sdelay $0xe  }
0xe5: {  	s12 =	spop (v2sf)  }
0xe6: {  	p1 =	sne.s32 s12, $0x80000000  }
.Ltmp15:
0xe7: {  	_ = 	snop;
	(pc) =	sbr.rel @p1 .LBB2_20-.Ltmp15, $2  }
0xe8: {  	_ =	sdelay $0x2  }
0xe9: {  	s12 =	simm.s32 $0x0  }
.Ltmp16:
0xea: {  	(pc) =	sbr.rel .LBB2_30-.Ltmp16, $2  }
0xeb: {  	_ =	sdelay $0x2  }
0xec: {  	s10 =	sadd.s32 s6, s10  }
.LBB2_28:
0xed: {  	s10 =	sadd.s32 s15, s12  }
0xee: {  	s12 =	sadd.s32 $0x1, s12;
	s10 =	smul.u32 $0x180, s10  }
0xef: {  	p1 =	sne.s32 s12, $0x4  }
.Ltmp17:
0xf0: {  	s10 =	sadd.s32 s6, s10;
	(pc) =	sbr.rel @!p1 .LBB2_29-.Ltmp17, $4  }
0xf1: {  	[hbm4b:s10+s3] =	stream.linear.scatter [tilespmem:s0], [sflag:$0x9], $0xC00, $0x38;
	[tilespmem:$0x10D80] =	vst v63  }
0xf2: {  	_ =	swait.ge [sflag:s8], $0xC00  }
0xf3: {  	[sflag:s8] =	ssyncset.done $0x0  }
0xf4: {  	[sflag:s8] =	ssyncadd.s32 $0xFFFFF400  }
.LBB2_20:
.Ltmp18:
0xf5: {  	(pc) =	sbr.rel .LBB2_21-.Ltmp18, $3  }
0xf6: {  	s10 =	smul.u32 $0x3000, s12;
	_ =	sdelay $0x1  }
0xf7: {  	s13 =	sshra.s32 s10, $0x2  }
0xf8: {  	s16 =	simm.s32 $0x0;
	s10 =	sshll.u32 s12, $0x3;
	s13 =	sadd.s32 $0x7000, s13  }
.LBB2_27:
0xf9: {  	s16 =	sadd.s32 $0x1, s16  }
0xfa: {  	p1 =	sne.s32 s16, $0x8  }
.Ltmp19:
0xfb: {  	_ = 	snop;
	(pc) =	sbr.rel @!p1 .LBB2_28-.Ltmp19, $1  }
0xfc: {  	_ =	sdelay $0x3  }
.LBB2_21:
0xfd: {  	s18 =	sadd.s32 s10, s16;
	s24 =	simm.s32 $0x0  }
0xfe: {  	s18 =	sshll.u32 s18, $0x7;
	v6 =	vmov s24  }
0xff: {  	v7 =	vmov s18;
	v6 =	vand.u32 $0x7F, v6  }
0x100: {  	v6 =	vadd.s32 v7, v6  }
0x101: {  	v6 =	vbroadcast v6, $0x0;
	_ =	sdelay $0x5  }
0x102: {  	v6 =	vld.idx.msk [tilespmem:v6+s17+$0x0], $0xffff;
	_ =	sdelay $0x4  }
0x103: {  	v10 =	vand.u32 v2, v6  }
0x104: {  	vm1 =	vne.s32 v10, $0x0  }
0x105: {  	v6 =	vsel vm1, $0x1, v0  }
0x106: {  	(xrf0) =	vadd.scan.msk.s32 $0xffff, v6;
	_ =	sdelay $0x5  }
0x107: {  	v8 =	vimm.s32 $0x0;
	v6, _, _ =	vpop (xrf0)  }
0x108: {  	v9 =	vmov s16;
	s20 =	sshll.u32 s16, $0x7;
	s22 =	simm.s32 $0x1;
	v12 =	vmpcnt.ones.xlane vm1;
	v11 =	vadd.s32 v8, v6  }
0x109: {  	v13 =	vmov s22;
	s18 =	sand.u32 $0x3FFFFF80, s20;
	v6 =	vshll.u32 v9, $0x7;
	v9 =	vadd.s32 $0xFFFFFFFF, v11  }
0x10a: {  	s19 =	sand.u32 $0xC00, s24;
	s20 =	sadd.s32 s18, s13;
	v8 =	vadd.s32 v8, v12;
	v6 =	vbroadcast v6, $0x0;
	v12 =	vshll.u32 v9, $0x3  }
0x10b: {  	s23 =	sand.u32 $0x70, s24;
	v13 =	vand.u32 $0x7F, v13;
	s22 =	sadd.s32 s19, s20;
	v15 =	vand.u32 $0xFFFFFC00, v12  }
0x10c: {  	s18 =	simm.s32 $0x0;
	s19 =	simm.s32 $0x2;
	s22 =	sadd.s32 s23, s22;
	v14 =	vand.u32 $0x7F, v9;
	v12 =	vor.u32 s24, v3;
	v15 =	vadd.s32 v6, v15;
	v9 =	vmovc v8  }
.LBB2_22:
0x10d: {  	p1 =	sne.s32 s19, $0x15;
	v13 =	vadd.s32 v7, v13;
	v16 =	vld [tilespmem:s22+$0x0];
	vm2 =	veq.s32 v10, $0x0;
	v10 =	vor.u32 v14, v15  }
0x10e: {  	v11 =	vsub.s32 v12, v11;
	v13 =	vbroadcast v13, $0x0;
	_ =	sdelay $0x3  }
0x10f: {  	[tilespmem:v10+s0+$0x0] =	vst.idx.msk vm1, v16  }
0x110: {  	[tilespmem:v11+s2+$0x0] =	vst.idx.msk vm2, v16  }
0x111: {  	v10 =	vld.idx.msk [tilespmem:v13+s17+$0x0], $0xffff;
	_ =	sdelay $0x5  }
0x112: {  	v10 =	vand.u32 v2, v10  }
0x113: {  	vm1 =	vne.s32 v10, $0x0  }
0x114: {  	v11 =	vsel vm1, $0x1, v0;
	v12 =	vmpcnt.ones.xlane vm1  }
0x115: {  	(xrf0) =	vadd.scan.msk.s32 $0xffff, v11  }
0x116: {  	v8 =	vadd.s32 v8, v12;
	_ =	sdelay $0x4  }
0x117: {  	v11, _, _ =	vpop (xrf0)  }
.Ltmp20:
0x118: {  	v11 =	vadd.s32 v9, v11;
	v9 =	vmov v8;
	(pc) =	sbr.rel @p1 .LBB2_22-.Ltmp20, $4  }
0x119: {  	s24 =	sadd.s32 $0x80, s24;
	v14 =	vadd.s32 $0xFFFFFFFF, v11  }
0x11a: {  	s18 =	sadd.s32 $0x10, s18;
	s22 =	sand.u32 $0xC00, s24;
	v12 =	vshll.u32 v14, $0x3  }
0x11b: {  	s23 =	sand.u32 $0x70, s18;
	s22 =	sadd.s32 s22, s20;
	v13 =	vmov s19;
	v15 =	vand.u32 $0xFFFFFC00, v12;
	v12 =	vor.u32 s18, v3  }
0x11c: {  	s22 =	sadd.s32 s23, s22;
	s19 =	sadd.s32 $0x1, s19;
	v13 =	vand.u32 $0x7F, v13;
	v14 =	vand.u32 $0x7F, v14;
	v15 =	vadd.s32 v6, v15  }
0x11d: {  	v13 =	vadd.s32 v7, v13;
	v16 =	vld [tilespmem:s22+$0x0];
	vm2 =	veq.s32 v10, $0x0;
	v52 =	vor.u32 v14, v15  }
0x11e: {  	v11 =	vsub.s32 v12, v11;
	v13 =	vbroadcast v13, $0x0;
	_ =	sdelay $0x3  }
0x11f: {  	[tilespmem:v52+s0+$0x0] =	vst.idx.msk vm1, v16  }
0x120: {  	[tilespmem:v11+s2+$0x0] =	vst.idx.msk vm2, v16  }
0x121: {  	v10 =	vld.idx.msk [tilespmem:v13+s17+$0x0], $0xffff;
	_ =	sdelay $0x4  }
0x122: {  	v10 =	vand.u32 v2, v10  }
0x123: {  	vm1 =	vne.s32 v10, $0x0  }
0x124: {  	v53 =	vsel vm1, $0x1, v0  }
0x125: {  	(xrf0) =	vadd.scan.msk.s32 $0xffff, v53;
	_ =	sdelay $0x5  }
0x126: {  	v11, _, _ =	vpop (xrf0)  }
0x127: {  	v9 =	vadd.s32 v9, v11  }
0x128: {  	s19 =	sadd.s32 $0x80, s24;
	v11 =	vadd.s32 $0xFFFFFFFF, v9  }
0x129: {  	s18 =	sadd.s32 $0x10, s18;
	s19 =	sand.u32 $0xC00, s19;
	v54 =	vshll.u32 v11, $0x3  }
0x12a: {  	s24 =	sand.u32 $0x70, s18;
	s19 =	sadd.s32 s19, s20;
	v12 =	vand.u32 $0xFFFFFC00, v54  }
0x12b: {  	v7 =	vadd.s32 $0x16, v7;
	s23 =	sadd.s32 s24, s19;
	v11 =	vand.u32 $0x7F, v11;
	v12 =	vadd.s32 v6, v12  }
0x12c: {  	v55 =	vor.u32 s18, v3;
	v56 =	vld [tilespmem:s23+$0x0];
	vm2 =	veq.s32 v10, $0x0;
	v57 =	vor.u32 v11, v12  }
0x12d: {  	v7 =	vbroadcast v7, $0x0;
	v9 =	vsub.s32 v55, v9;
	_ =	sdelay $0x3  }
0x12e: {  	[tilespmem:v57+s0+$0x0] =	vst.idx.msk vm1, v56  }
0x12f: {  	[tilespmem:v9+s2+$0x0] =	vst.idx.msk vm2, v56  }
0x130: {  	v7 =	vld.idx.msk [tilespmem:v7+s17+$0x0], $0xffff;
	_ =	sdelay $0x4  }
0x131: {  	v7 =	vand.u32 v4, v7  }
0x132: {  	vm2 =	vne.s32 v7, $0x0  }
0x133: {  	v7 =	vmpcnt.ones.xlane vm1;
	vm1 =	vmand vm2, vm0  }
0x134: {  	v58 =	vmpcnt.ones.xlane vm1  }
0x135: {  	v8 =	vadd.s32 v8, v7  }
0x136: {  	v59 =	vsel vm1, $0x1, v0;
	v7 =	vadd.s32 v8, v58  }
0x137: {  	(xrf0) =	vadd.scan.msk.s32 $0xffff, v59;
	v9 =	vsub.s32 $0x80000168, v7  }
0x138: {  	(xrf0) =	vmax.scan.msk.u32 $0xffff, v9;
	_ =	sdelay $0x4  }
0x139: {  	v60, _, _ =	vpop (xrf0)  }
0x13a: {  	v61, _, _ =	vpop (xrf0)  }
0x13b: {  	(v2sf) =	vpush v61, $0xF;
	_ =	sdelay $0x9  }
0x13c: {  	v8 =	vadd.s32 v8, v60  }
0x13d: {  	v9 =	vadd.s32 $0xFFFFFFFF, v8  }
0x13e: {  	v62 =	vshll.u32 v9, $0x3  }
0x13f: {  	v9 =	vand.u32 $0x7F, v9;
	v10 =	vand.u32 $0xFFFFFC00, v62  }
0x140: {  	v9 =	vor.u32 v10, v9  }
0x141: {  	v63 =	vld [tilespmem:s20+$0x858];
	vm2 =	vmxor vm1, vm0;
	v9 =	vor.u32 v6, v9;
	s24 =	spop (v2sf)  }
0x142: {  	v8 =	vsub.s32 v5, v8;
	p1 =	slt.u32 s24, $0x80000001  }
.Ltmp21:
0x143: {  	_ = 	snop;
	(pc) =	sbr.rel @p1 .LBB2_27-.Ltmp21, $3  }
0x144: {  	_ =	sdelay $0x1  }
0x145: {  	s18 =	simm.s32 $0x10C00;
	[tilespmem:v9+s0+$0x0] =	vst.idx.msk vm1, v63  }
0x146: {  	[tilespmem:v8+s18+$0x0] =	vst.idx.msk vm2, v63  }
0x147: {  	s19 =	simm.s32 $0x0  }
0x148: {  	v10 =	vor.u32 s19, v3  }
0x149: {  	v9 =	vadd.s32 v7, v10  }
0x14a: {  	s24 =	simm.s32 $0x10;
	vm1 =	vlt.s32 v9, $0x167  }
0x14b: {  	v8 =	vor.u32 s24, v3;
	v11 =	vnsel vm1, $0x167, v9  }
0x14c: {  	v12 =	vadd.s32 v7, v8;
	v9 =	vsub.s32 $0x168, v7;
	v13 =	vshll.u32 v11, $0x3  }
0x14d: {  	vm1 =	vlt.s32 v12, $0x167;
	v11 =	vand.u32 $0x7F, v11;
	v13 =	vand.u32 $0xFFFFFC00, v13  }
0x14e: {  	v12 =	vnsel vm1, $0x167, v12;
	vm1 =	vlt.s32 v10, v9;
	v11 =	vor.u32 v13, v11  }
0x14f: {  	v10 =	vld [tilespmem:s18+$0x0];
	v11 =	vor.u32 v6, v11;
	_ =	sdelay $0x2  }
0x150: {  	v13 =	vshll.u32 v12, $0x3  }
0x151: {  	s19 =	simm.s32 $0x20;
	v12 =	vand.u32 $0x7F, v12;
	v13 =	vand.u32 $0xFFFFFC00, v13  }
.LBB2_25:
0x152: {  	p1 =	sne.s32 s19, $0x160;
	v12 =	vor.u32 v13, v12;
	[tilespmem:v11+s0+$0x0] =	vst.idx.msk vm1, v10;
	vm1 =	vlt.s32 v8, v9;
	v8 =	vor.u32 s19, v3;
	s19 =	sadd.s32 $0x10, s19;
	s18 =	sadd.s32 $0x10, s18  }
.Ltmp22:
0x153: {  	v13 =	vadd.s32 v7, v8;
	v10 =	vld [tilespmem:s18+$0x0];
	v11 =	vor.u32 v6, v12;
	(pc) =	sbr.rel @p1 .LBB2_25-.Ltmp22, $4  }
0x154: {  	vm2 =	vlt.s32 v13, $0x167  }
0x155: {  	v12 =	vnsel vm2, $0x167, v13  }
0x156: {  	v13 =	vshll.u32 v12, $0x3  }
0x157: {  	v12 =	vand.u32 $0x7F, v12;
	v13 =	vand.u32 $0xFFFFFC00, v13  }
0x158: {  	_ =	sdelay $0x4  }
0x159: {  	vm2 =	vlt.s32 v8, v9;
	v7 =	vor.u32 v13, v12;
	[tilespmem:v11+s0+$0x0] =	vst.idx.msk vm1, v10;
	s18 =	sadd.s32 $0x10, s18  }
0x15a: {  	v63 =	vld [tilespmem:s18+$0x0];
	v6 =	vor.u32 v6, v7  }
.Ltmp23:
0x15b: {  	_ = 	snop;
	(pc) =	sbr.rel .LBB2_27-.Ltmp23, $2  }
0x15c: {  	_ =	sdelay $0x2  }
0x15d: {  	[tilespmem:v6+s0+$0x0] =	vst.idx.msk vm2, v63  }
.LBB2_29:
0x15e: {  	s10 =	smov.u32 s7  }
.LBB2_30:
0x15f: {  	s12 =	simm.s32 $0x7000;
	s20 =	rddreg [dreg:$0x8]  }
0x160: {  	[hbm4b:s10+s3] =	stream.linear.scatter [tilespmem:s12], [sflag:$0xA], $0x3000, $0x38;
	[tilespmem:$0x10D80] =	vst v63  }
0x161: {  	s22 =	sadd.s32 s20, s9  }
0x162: {  	s13 =	simm.s32 @!p0 $0xA;
	s15 =	sshrl.u32 s22, $0x3  }
0x163: {  	_ =	swait.ge @!p0 [sflag:s13], $0x3000;
	s10 =	smul.u32 $0x180, s15  }
0x164: {  	s16 =	simm.s32 $0x0;
	s18 =	simm.s32 $0xD000;
	[sflag:s13] =	ssyncset.done @!p0 $0x0  }
0x165: {  	s12 =	sshll.u32 s22, $0x4;
	[sflag:s13] =	ssyncadd.s32 @!p0 $0xFFFFD000;
	s23 =	sadd.s32 s5, s10  }
0x166: {  	[tilespmem:s18], [sflag:$0x8] =	stream.linear.gather [hbm4b:s23+s16], $0x3000, $0x38;
	[tilespmem:$0x10D80] =	vst v63  }
0x167: {  	s12 =	sadd.s32 s1, s12  }
0x168: {  	[tilespmem:s25], [sflag:$0x4] =	stream.linear.gather [hbm4b:s12+s16], $0x1000, $0x38;
	[tilespmem:$0x10D80] =	vst v63  }
0x169: {  	_ =	swait.ge [sflag:s26], $0x3000  }
0x16a: {  	[sflag:s26] =	ssyncset.done $0x0  }
0x16b: {  	[sflag:s26] =	ssyncadd.s32 $0xFFFFD000  }
0x16c: {  	_ =	swait.ge [sflag:s28], $0x1000  }
0x16d: {  	[sflag:s28] =	ssyncset.done $0x0  }
0x16e: {  	s24 =	simm.s32 $0x0;
	[sflag:s28] =	ssyncadd.s32 $0xFFFFF000  }
0x16f: {  	v6 =	vld [tilespmem:s24+$0x2000]  }
0x170: {  	v7 =	vimm.s32 $0x0;
	s12 =	simm.s32 $0x200;
	v8 =	vld [tilespmem:s24+$0x2008]  }
.LBB2_31:
0x171: {  	p0 =	sne.s32 s12, $0x3E00  }
.Ltmp24:
0x172: {  	_ = 	snop;
	(pc) =	sbr.rel @p0 .LBB2_31-.Ltmp24, $4  }
0x173: {  	_ = 	snop  }
0x174: {  	s13 =	sshra.s32 s12, $0x2;
	s12 =	sadd.s32 $0x200, s12;
	v9 =	vxor.u32 $0xFFFF, v6  }
0x175: {  	v6 =	vld [tilespmem:s13+$0x2000];
	v10 =	vxor.u32 v1, v8;
	v7 =	vor.u32 v7, v9  }
0x176: {  	v8 =	vld [tilespmem:s13+$0x2008];
	v7 =	vor.u32 v10, v7  }
0x177: {  	_ =	sdelay $0x2  }
0x178: {  	v6 =	vxor.u32 $0xFFFF, v6  }
0x179: {  	v8 =	vxor.u32 v1, v8;
	v6 =	vor.u32 v7, v6  }
0x17a: {  	v6 =	vor.u32 v8, v6  }
0x17b: {  	v6 =	vxor.u32 $0x80000000, v6  }
0x17c: {  	(xrf0) =	vmax.scan.msk.u32 $0xffff, v6;
	_ =	sdelay $0x5  }
0x17d: {  	v6, _, _ =	vpop (xrf0)  }
0x17e: {  	(v2sf) =	vpush v6, $0xF;
	_ =	sdelay $0xe  }
0x17f: {  	s12 =	spop (v2sf)  }
0x180: {  	p0 =	sne.s32 s12, $0x80000000  }
.Ltmp25:
0x181: {  	_ = 	snop;
	(pc) =	sbr.rel @p0 .LBB2_34-.Ltmp25, $2  }
0x182: {  	_ =	sdelay $0x2  }
0x183: {  	s12 =	simm.s32 $0x0  }
.Ltmp26:
0x184: {  	(pc) =	sbr.rel .LBB2_44-.Ltmp26, $2  }
0x185: {  	_ =	sdelay $0x2  }
0x186: {  	s4 =	sadd.s32 s6, s11  }
.LBB2_42:
0x187: {  	s11 =	sadd.s32 s4, s12  }
0x188: {  	s12 =	sadd.s32 $0x1, s12;
	s11 =	smul.u32 $0x180, s11  }
0x189: {  	p0 =	sne.s32 s12, $0x4  }
.Ltmp27:
0x18a: {  	s11 =	sadd.s32 s6, s11;
	(pc) =	sbr.rel @!p0 .LBB2_43-.Ltmp27, $4  }
0x18b: {  	[hbm4b:s11+s3] =	stream.linear.scatter [tilespmem:s0], [sflag:$0x9], $0xC00, $0x38;
	[tilespmem:$0x10D80] =	vst v63  }
0x18c: {  	_ =	swait.ge [sflag:s8], $0xC00  }
0x18d: {  	[sflag:s8] =	ssyncset.done $0x0  }
0x18e: {  	[sflag:s8] =	ssyncadd.s32 $0xFFFFF400  }
.LBB2_34:
.Ltmp28:
0x18f: {  	(pc) =	sbr.rel .LBB2_35-.Ltmp28, $3  }
0x190: {  	s11 =	smul.u32 $0x3000, s12;
	_ =	sdelay $0x1  }
0x191: {  	s13 =	sshra.s32 s11, $0x2  }
0x192: {  	s16 =	simm.s32 $0x0;
	s11 =	sshll.u32 s12, $0x3;
	s13 =	sadd.s32 $0xA000, s13  }
.LBB2_41:
0x193: {  	s16 =	sadd.s32 $0x1, s16  }
0x194: {  	p0 =	sne.s32 s16, $0x8  }
.Ltmp29:
0x195: {  	_ = 	snop;
	(pc) =	sbr.rel @!p0 .LBB2_42-.Ltmp29, $1  }
0x196: {  	_ =	sdelay $0x3  }
.LBB2_35:
0x197: {  	s18 =	sadd.s32 s11, s16;
	s24 =	simm.s32 $0x0  }
0x198: {  	s18 =	sshll.u32 s18, $0x7;
	v6 =	vmov s24  }
0x199: {  	v7 =	vmov s18;
	v6 =	vand.u32 $0x7F, v6  }
0x19a: {  	v6 =	vadd.s32 v7, v6  }
0x19b: {  	v6 =	vbroadcast v6, $0x0;
	_ =	sdelay $0x5  }
0x19c: {  	v6 =	vld.idx.msk [tilespmem:v6+s21+$0x0], $0xffff;
	_ =	sdelay $0x4  }
0x19d: {  	v10 =	vand.u32 v2, v6  }
0x19e: {  	vm1 =	vne.s32 v10, $0x0  }
0x19f: {  	v6 =	vsel vm1, $0x1, v0  }
0x1a0: {  	(xrf0) =	vadd.scan.msk.s32 $0xffff, v6;
	_ =	sdelay $0x5  }
0x1a1: {  	v8 =	vimm.s32 $0x0;
	v6, _, _ =	vpop (xrf0)  }
0x1a2: {  	v9 =	vmov s16;
	s20 =	sshll.u32 s16, $0x7;
	s22 =	simm.s32 $0x1;
	v12 =	vmpcnt.ones.xlane vm1;
	v11 =	vadd.s32 v8, v6  }
0x1a3: {  	v13 =	vmov s22;
	s18 =	sand.u32 $0x3FFFFF80, s20;
	v6 =	vshll.u32 v9, $0x7;
	v9 =	vadd.s32 $0xFFFFFFFF, v11  }
0x1a4: {  	s19 =	sand.u32 $0xC00, s24;
	s20 =	sadd.s32 s18, s13;
	v8 =	vadd.s32 v8, v12;
	v6 =	vbroadcast v6, $0x0;
	v12 =	vshll.u32 v9, $0x3  }
0x1a5: {  	s23 =	sand.u32 $0x70, s24;
	v13 =	vand.u32 $0x7F, v13;
	s22 =	sadd.s32 s19, s20;
	v15 =	vand.u32 $0xFFFFFC00, v12  }
0x1a6: {  	s18 =	simm.s32 $0x0;
	s19 =	simm.s32 $0x2;
	s22 =	sadd.s32 s23, s22;
	v14 =	vand.u32 $0x7F, v9;
	v12 =	vor.u32 s24, v3;
	v15 =	vadd.s32 v6, v15;
	v9 =	vmovc v8  }
.LBB2_36:
0x1a7: {  	p0 =	sne.s32 s19, $0x15;
	v13 =	vadd.s32 v7, v13;
	v16 =	vld [tilespmem:s22+$0x0];
	vm2 =	veq.s32 v10, $0x0;
	v10 =	vor.u32 v14, v15  }
0x1a8: {  	v11 =	vsub.s32 v12, v11;
	v13 =	vbroadcast v13, $0x0;
	_ =	sdelay $0x3  }
0x1a9: {  	[tilespmem:v10+s0+$0x0] =	vst.idx.msk vm1, v16  }
0x1aa: {  	[tilespmem:v11+s2+$0x0] =	vst.idx.msk vm2, v16  }
0x1ab: {  	v10 =	vld.idx.msk [tilespmem:v13+s21+$0x0], $0xffff;
	_ =	sdelay $0x5  }
0x1ac: {  	v10 =	vand.u32 v2, v10  }
0x1ad: {  	vm1 =	vne.s32 v10, $0x0  }
0x1ae: {  	v11 =	vsel vm1, $0x1, v0;
	v12 =	vmpcnt.ones.xlane vm1  }
0x1af: {  	(xrf0) =	vadd.scan.msk.s32 $0xffff, v11  }
0x1b0: {  	v8 =	vadd.s32 v8, v12;
	_ =	sdelay $0x4  }
0x1b1: {  	v11, _, _ =	vpop (xrf0)  }
.Ltmp30:
0x1b2: {  	v11 =	vadd.s32 v9, v11;
	v9 =	vmov v8;
	(pc) =	sbr.rel @p0 .LBB2_36-.Ltmp30, $4  }
0x1b3: {  	s24 =	sadd.s32 $0x80, s24;
	v14 =	vadd.s32 $0xFFFFFFFF, v11  }
0x1b4: {  	s18 =	sadd.s32 $0x10, s18;
	s22 =	sand.u32 $0xC00, s24;
	v12 =	vshll.u32 v14, $0x3  }
0x1b5: {  	s23 =	sand.u32 $0x70, s18;
	s22 =	sadd.s32 s22, s20;
	v13 =	vmov s19;
	v15 =	vand.u32 $0xFFFFFC00, v12;
	v12 =	vor.u32 s18, v3  }
0x1b6: {  	s22 =	sadd.s32 s23, s22;
	s19 =	sadd.s32 $0x1, s19;
	v13 =	vand.u32 $0x7F, v13;
	v14 =	vand.u32 $0x7F, v14;
	v15 =	vadd.s32 v6, v15  }
0x1b7: {  	v13 =	vadd.s32 v7, v13;
	v16 =	vld [tilespmem:s22+$0x0];
	vm2 =	veq.s32 v10, $0x0;
	v52 =	vor.u32 v14, v15  }
0x1b8: {  	v11 =	vsub.s32 v12, v11;
	v13 =	vbroadcast v13, $0x0;
	_ =	sdelay $0x3  }
0x1b9: {  	[tilespmem:v52+s0+$0x0] =	vst.idx.msk vm1, v16  }
0x1ba: {  	[tilespmem:v11+s2+$0x0] =	vst.idx.msk vm2, v16  }
0x1bb: {  	v10 =	vld.idx.msk [tilespmem:v13+s21+$0x0], $0xffff;
	_ =	sdelay $0x4  }
0x1bc: {  	v10 =	vand.u32 v2, v10  }
0x1bd: {  	vm1 =	vne.s32 v10, $0x0  }
0x1be: {  	v53 =	vsel vm1, $0x1, v0  }
0x1bf: {  	(xrf0) =	vadd.scan.msk.s32 $0xffff, v53;
	_ =	sdelay $0x5  }
0x1c0: {  	v11, _, _ =	vpop (xrf0)  }
0x1c1: {  	v9 =	vadd.s32 v9, v11  }
0x1c2: {  	s19 =	sadd.s32 $0x80, s24;
	v11 =	vadd.s32 $0xFFFFFFFF, v9  }
0x1c3: {  	s18 =	sadd.s32 $0x10, s18;
	s19 =	sand.u32 $0xC00, s19;
	v54 =	vshll.u32 v11, $0x3  }
0x1c4: {  	s24 =	sand.u32 $0x70, s18;
	s19 =	sadd.s32 s19, s20;
	v12 =	vand.u32 $0xFFFFFC00, v54  }
0x1c5: {  	v7 =	vadd.s32 $0x16, v7;
	s23 =	sadd.s32 s24, s19;
	v11 =	vand.u32 $0x7F, v11;
	v12 =	vadd.s32 v6, v12  }
0x1c6: {  	v55 =	vor.u32 s18, v3;
	v56 =	vld [tilespmem:s23+$0x0];
	vm2 =	veq.s32 v10, $0x0;
	v57 =	vor.u32 v11, v12  }
0x1c7: {  	v7 =	vbroadcast v7, $0x0;
	v9 =	vsub.s32 v55, v9;
	_ =	sdelay $0x3  }
0x1c8: {  	[tilespmem:v57+s0+$0x0] =	vst.idx.msk vm1, v56  }
0x1c9: {  	[tilespmem:v9+s2+$0x0] =	vst.idx.msk vm2, v56  }
0x1ca: {  	v7 =	vld.idx.msk [tilespmem:v7+s21+$0x0], $0xffff;
	_ =	sdelay $0x4  }
0x1cb: {  	v7 =	vand.u32 v4, v7  }
0x1cc: {  	vm2 =	vne.s32 v7, $0x0  }
0x1cd: {  	v7 =	vmpcnt.ones.xlane vm1;
	vm1 =	vmand vm2, vm0  }
0x1ce: {  	v58 =	vmpcnt.ones.xlane vm1  }
0x1cf: {  	v8 =	vadd.s32 v8, v7  }
0x1d0: {  	v59 =	vsel vm1, $0x1, v0;
	v7 =	vadd.s32 v8, v58  }
0x1d1: {  	(xrf0) =	vadd.scan.msk.s32 $0xffff, v59;
	v9 =	vsub.s32 $0x80000168, v7  }
0x1d2: {  	(xrf0) =	vmax.scan.msk.u32 $0xffff, v9;
	_ =	sdelay $0x4  }
0x1d3: {  	v60, _, _ =	vpop (xrf0)  }
0x1d4: {  	v61, _, _ =	vpop (xrf0)  }
0x1d5: {  	(v2sf) =	vpush v61, $0xF;
	_ =	sdelay $0x9  }
0x1d6: {  	v8 =	vadd.s32 v8, v60  }
0x1d7: {  	v9 =	vadd.s32 $0xFFFFFFFF, v8  }
0x1d8: {  	v62 =	vshll.u32 v9, $0x3  }
0x1d9: {  	v9 =	vand.u32 $0x7F, v9;
	v10 =	vand.u32 $0xFFFFFC00, v62  }
0x1da: {  	v9 =	vor.u32 v10, v9  }
0x1db: {  	v63 =	vld [tilespmem:s20+$0x858];
	vm2 =	vmxor vm1, vm0;
	v9 =	vor.u32 v6, v9;
	s24 =	spop (v2sf)  }
0x1dc: {  	v8 =	vsub.s32 v5, v8;
	p0 =	slt.u32 s24, $0x80000001  }
.Ltmp31:
0x1dd: {  	_ = 	snop;
	(pc) =	sbr.rel @p0 .LBB2_41-.Ltmp31, $3  }
0x1de: {  	_ =	sdelay $0x1  }
0x1df: {  	s18 =	simm.s32 $0x10C00;
	[tilespmem:v9+s0+$0x0] =	vst.idx.msk vm1, v63  }
0x1e0: {  	[tilespmem:v8+s18+$0x0] =	vst.idx.msk vm2, v63  }
0x1e1: {  	s19 =	simm.s32 $0x0  }
0x1e2: {  	v10 =	vor.u32 s19, v3  }
0x1e3: {  	v9 =	vadd.s32 v7, v10  }
0x1e4: {  	s24 =	simm.s32 $0x10;
	vm1 =	vlt.s32 v9, $0x167  }
0x1e5: {  	v8 =	vor.u32 s24, v3;
	v11 =	vnsel vm1, $0x167, v9  }
0x1e6: {  	v12 =	vadd.s32 v7, v8;
	v9 =	vsub.s32 $0x168, v7;
	v13 =	vshll.u32 v11, $0x3  }
0x1e7: {  	vm1 =	vlt.s32 v12, $0x167;
	v11 =	vand.u32 $0x7F, v11;
	v13 =	vand.u32 $0xFFFFFC00, v13  }
0x1e8: {  	v12 =	vnsel vm1, $0x167, v12;
	vm1 =	vlt.s32 v10, v9;
	v11 =	vor.u32 v13, v11  }
0x1e9: {  	v10 =	vld [tilespmem:s18+$0x0];
	v11 =	vor.u32 v6, v11;
	_ =	sdelay $0x2  }
0x1ea: {  	v13 =	vshll.u32 v12, $0x3  }
0x1eb: {  	s19 =	simm.s32 $0x20;
	v12 =	vand.u32 $0x7F, v12;
	v13 =	vand.u32 $0xFFFFFC00, v13  }
.LBB2_39:
0x1ec: {  	p0 =	sne.s32 s19, $0x160;
	v12 =	vor.u32 v13, v12;
	[tilespmem:v11+s0+$0x0] =	vst.idx.msk vm1, v10;
	vm1 =	vlt.s32 v8, v9;
	v8 =	vor.u32 s19, v3;
	s19 =	sadd.s32 $0x10, s19;
	s18 =	sadd.s32 $0x10, s18  }
.Ltmp32:
0x1ed: {  	v13 =	vadd.s32 v7, v8;
	v10 =	vld [tilespmem:s18+$0x0];
	v11 =	vor.u32 v6, v12;
	(pc) =	sbr.rel @p0 .LBB2_39-.Ltmp32, $4  }
0x1ee: {  	vm2 =	vlt.s32 v13, $0x167  }
0x1ef: {  	v12 =	vnsel vm2, $0x167, v13  }
0x1f0: {  	v13 =	vshll.u32 v12, $0x3  }
0x1f1: {  	v12 =	vand.u32 $0x7F, v12;
	v13 =	vand.u32 $0xFFFFFC00, v13  }
0x1f2: {  	_ =	sdelay $0x4  }
0x1f3: {  	vm2 =	vlt.s32 v8, v9;
	v7 =	vor.u32 v13, v12;
	[tilespmem:v11+s0+$0x0] =	vst.idx.msk vm1, v10;
	s18 =	sadd.s32 $0x10, s18  }
0x1f4: {  	v63 =	vld [tilespmem:s18+$0x0];
	v6 =	vor.u32 v6, v7  }
.Ltmp33:
0x1f5: {  	_ = 	snop;
	(pc) =	sbr.rel .LBB2_41-.Ltmp33, $2  }
0x1f6: {  	_ =	sdelay $0x2  }
0x1f7: {  	[tilespmem:v6+s0+$0x0] =	vst.idx.msk vm2, v63  }
.LBB2_43:
0x1f8: {  	s4 =	smov.u32 s7  }
.LBB2_44:
0x1f9: {  	s11 =	simm.s32 $0xA000  }
0x1fa: {  	[hbm4b:s4+s3] =	stream.linear.scatter [tilespmem:s11], [sflag:$0xA], $0x3000, $0x38;
	[tilespmem:$0x10D80] =	vst v63  }
0x1fb: {  	p0 =	seq.s32 s14, $0x3;
	s4 =	rddreg [dreg:$0x9]  }
0x1fc: {  	s4 =	sadd.s32 @!p0 s9, s4  }
0x1fd: {  	s9 =	sshrl.u32 @!p0 s4, $0x3  }
0x1fe: {  	_ =	swait.ge [sflag:s29], $0x3000;
	s9 =	smul.u32 @!p0 $0x180, s9  }
0x1ff: {  	s11 =	simm.s32 @!p0 $0x0;
	s12 =	simm.s32 @!p0 $0x4000;
	[sflag:s29] =	ssyncset.done $0x0  }
0x200: {  	s4 =	sshll.u32 @!p0 s4, $0x4;
	[sflag:s29] =	ssyncadd.s32 $0xFFFFD000;
	s9 =	sadd.s32 @!p0 s5, s9  }
0x201: {  	[tilespmem:s12], [sflag:$0x5] =	stream.linear.gather @!p0 [hbm4b:s9+s11], $0x3000, $0x38;
	[tilespmem:$0x10D80] =	vst v63  }
0x202: {  	s4 =	sadd.s32 @!p0 s1, s4  }
0x203: {  	[tilespmem:s11], [sflag:$0x1] =	stream.linear.gather @!p0 [hbm4b:s4+s11], $0x1000, $0x38;
	[tilespmem:$0x10D80] =	vst v63  }
0x204: {  	_ =	swait.ge [sflag:s30], $0x3000  }
0x205: {  	[sflag:s30] =	ssyncset.done $0x0  }
0x206: {  	[sflag:s30] =	ssyncadd.s32 $0xFFFFD000  }
0x207: {  	_ =	swait.ge [sflag:s31], $0x1000  }
0x208: {  	[sflag:s31] =	ssyncset.done $0x0  }
0x209: {  	s24 =	simm.s32 $0x0;
	[sflag:s31] =	ssyncadd.s32 $0xFFFFF000  }
0x20a: {  	v6 =	vld [tilespmem:s24+$0x3000]  }
0x20b: {  	v7 =	vimm.s32 $0x0;
	s4 =	simm.s32 $0x200;
	v8 =	vld [tilespmem:s24+$0x3008]  }
.LBB2_45:
0x20c: {  	p0 =	sne.s32 s4, $0x3E00  }
.Ltmp34:
0x20d: {  	_ = 	snop;
	(pc) =	sbr.rel @p0 .LBB2_45-.Ltmp34, $4  }
0x20e: {  	_ = 	snop  }
0x20f: {  	s9 =	sshra.s32 s4, $0x2;
	s4 =	sadd.s32 $0x200, s4;
	v9 =	vxor.u32 $0xFFFF, v6  }
0x210: {  	v6 =	vld [tilespmem:s9+$0x3000];
	v10 =	vxor.u32 v1, v8;
	v7 =	vor.u32 v7, v9  }
0x211: {  	v8 =	vld [tilespmem:s9+$0x3008];
	v7 =	vor.u32 v10, v7  }
0x212: {  	_ =	sdelay $0x2  }
0x213: {  	v6 =	vxor.u32 $0xFFFF, v6  }
0x214: {  	v8 =	vxor.u32 v1, v8;
	v6 =	vor.u32 v7, v6  }
0x215: {  	v6 =	vor.u32 v8, v6  }
0x216: {  	v6 =	vxor.u32 $0x80000000, v6  }
0x217: {  	(xrf0) =	vmax.scan.msk.u32 $0xffff, v6;
	_ =	sdelay $0x5  }
0x218: {  	v6, _, _ =	vpop (xrf0)  }
0x219: {  	(v2sf) =	vpush v6, $0xF;
	_ =	sdelay $0xe  }
0x21a: {  	s4 =	spop (v2sf)  }
0x21b: {  	p0 =	sne.s32 s4, $0x80000000  }
.Ltmp35:
0x21c: {  	_ = 	snop;
	(pc) =	sbr.rel @p0 .LBB2_48-.Ltmp35, $2  }
0x21d: {  	_ =	sdelay $0x2  }
0x21e: {  	s4 =	simm.s32 $0x0  }
.Ltmp36:
0x21f: {  	(pc) =	sbr.rel .LBB2_58-.Ltmp36, $2  }
0x220: {  	_ =	sdelay $0x2  }
0x221: {  	s4 =	sadd.s32 s6, s10  }
.LBB2_56:
0x222: {  	s9 =	sadd.s32 s15, s4  }
0x223: {  	s4 =	sadd.s32 $0x1, s4;
	s9 =	smul.u32 $0x180, s9  }
0x224: {  	p0 =	sne.s32 s4, $0x4  }
.Ltmp37:
0x225: {  	s9 =	sadd.s32 s6, s9;
	(pc) =	sbr.rel @!p0 .LBB2_57-.Ltmp37, $4  }
0x226: {  	[hbm4b:s9+s3] =	stream.linear.scatter [tilespmem:s0], [sflag:$0x9], $0xC00, $0x38;
	[tilespmem:$0x10D80] =	vst v63  }
0x227: {  	_ =	swait.ge [sflag:s8], $0xC00  }
0x228: {  	[sflag:s8] =	ssyncset.done $0x0  }
0x229: {  	[sflag:s8] =	ssyncadd.s32 $0xFFFFF400  }
.LBB2_48:
.Ltmp38:
0x22a: {  	(pc) =	sbr.rel .LBB2_49-.Ltmp38, $3  }
0x22b: {  	s9 =	smul.u32 $0x3000, s4;
	_ =	sdelay $0x1  }
0x22c: {  	s10 =	sshra.s32 s9, $0x2  }
0x22d: {  	s11 =	simm.s32 $0x0;
	s9 =	sshll.u32 s4, $0x3;
	s10 =	sadd.s32 $0xD000, s10  }
.LBB2_55:
0x22e: {  	s11 =	sadd.s32 $0x1, s11  }
0x22f: {  	p0 =	sne.s32 s11, $0x8  }
.Ltmp39:
0x230: {  	_ = 	snop;
	(pc) =	sbr.rel @!p0 .LBB2_56-.Ltmp39, $1  }
0x231: {  	_ =	sdelay $0x3  }
.LBB2_49:
0x232: {  	s12 =	sadd.s32 s9, s11;
	s13 =	simm.s32 $0x0  }
0x233: {  	s12 =	sshll.u32 s12, $0x7;
	v6 =	vmov s13  }
0x234: {  	v7 =	vmov s12;
	v6 =	vand.u32 $0x7F, v6  }
0x235: {  	v6 =	vadd.s32 v7, v6  }
0x236: {  	v6 =	vbroadcast v6, $0x0;
	_ =	sdelay $0x5  }
0x237: {  	v6 =	vld.idx.msk [tilespmem:v6+s25+$0x0], $0xffff;
	_ =	sdelay $0x4  }
0x238: {  	v10 =	vand.u32 v2, v6  }
0x239: {  	vm1 =	vne.s32 v10, $0x0  }
0x23a: {  	v6 =	vsel vm1, $0x1, v0  }
0x23b: {  	(xrf0) =	vadd.scan.msk.s32 $0xffff, v6;
	_ =	sdelay $0x5  }
0x23c: {  	v8 =	vimm.s32 $0x0;
	v6, _, _ =	vpop (xrf0)  }
0x23d: {  	v9 =	vmov s11;
	s23 =	sshll.u32 s11, $0x7;
	s16 =	simm.s32 $0x1;
	v12 =	vmpcnt.ones.xlane vm1;
	v11 =	vadd.s32 v8, v6  }
0x23e: {  	v13 =	vmov s16;
	s12 =	sand.u32 $0x3FFFFF80, s23;
	v6 =	vshll.u32 v9, $0x7;
	v9 =	vadd.s32 $0xFFFFFFFF, v11  }
0x23f: {  	s18 =	sand.u32 $0xC00, s13;
	s12 =	sadd.s32 s12, s10;
	v8 =	vadd.s32 v8, v12;
	v6 =	vbroadcast v6, $0x0;
	v12 =	vshll.u32 v9, $0x3  }
0x240: {  	s24 =	sand.u32 $0x70, s13;
	v13 =	vand.u32 $0x7F, v13;
	s19 =	sadd.s32 s18, s12;
	v15 =	vand.u32 $0xFFFFFC00, v12  }
0x241: {  	s16 =	simm.s32 $0x0;
	s18 =	simm.s32 $0x2;
	s19 =	sadd.s32 s24, s19;
	v14 =	vand.u32 $0x7F, v9;
	v12 =	vor.u32 s13, v3;
	v15 =	vadd.s32 v6, v15;
	v9 =	vmovc v8  }
.LBB2_50:
0x242: {  	p0 =	sne.s32 s18, $0x15;
	v13 =	vadd.s32 v7, v13;
	v16 =	vld [tilespmem:s19+$0x0];
	vm2 =	veq.s32 v10, $0x0;
	v10 =	vor.u32 v14, v15  }
0x243: {  	v11 =	vsub.s32 v12, v11;
	v13 =	vbroadcast v13, $0x0;
	_ =	sdelay $0x3  }
0x244: {  	[tilespmem:v10+s0+$0x0] =	vst.idx.msk vm1, v16  }
0x245: {  	[tilespmem:v11+s2+$0x0] =	vst.idx.msk vm2, v16  }
0x246: {  	v10 =	vld.idx.msk [tilespmem:v13+s25+$0x0], $0xffff;
	_ =	sdelay $0x5  }
0x247: {  	v10 =	vand.u32 v2, v10  }
0x248: {  	vm1 =	vne.s32 v10, $0x0  }
0x249: {  	v11 =	vsel vm1, $0x1, v0;
	v12 =	vmpcnt.ones.xlane vm1  }
0x24a: {  	(xrf0) =	vadd.scan.msk.s32 $0xffff, v11  }
0x24b: {  	v8 =	vadd.s32 v8, v12;
	_ =	sdelay $0x4  }
0x24c: {  	v11, _, _ =	vpop (xrf0)  }
.Ltmp40:
0x24d: {  	v11 =	vadd.s32 v9, v11;
	v9 =	vmov v8;
	(pc) =	sbr.rel @p0 .LBB2_50-.Ltmp40, $4  }
0x24e: {  	s13 =	sadd.s32 $0x80, s13;
	v14 =	vadd.s32 $0xFFFFFFFF, v11  }
0x24f: {  	s16 =	sadd.s32 $0x10, s16;
	s19 =	sand.u32 $0xC00, s13;
	v12 =	vshll.u32 v14, $0x3  }
0x250: {  	s20 =	sand.u32 $0x70, s16;
	s19 =	sadd.s32 s19, s12;
	v13 =	vmov s18;
	v15 =	vand.u32 $0xFFFFFC00, v12;
	v12 =	vor.u32 s16, v3  }
0x251: {  	s19 =	sadd.s32 s20, s19;
	s18 =	sadd.s32 $0x1, s18;
	v13 =	vand.u32 $0x7F, v13;
	v14 =	vand.u32 $0x7F, v14;
	v15 =	vadd.s32 v6, v15  }
0x252: {  	v13 =	vadd.s32 v7, v13;
	v16 =	vld [tilespmem:s19+$0x0];
	vm2 =	veq.s32 v10, $0x0;
	v52 =	vor.u32 v14, v15  }
0x253: {  	v11 =	vsub.s32 v12, v11;
	v13 =	vbroadcast v13, $0x0;
	_ =	sdelay $0x3  }
0x254: {  	[tilespmem:v52+s0+$0x0] =	vst.idx.msk vm1, v16  }
0x255: {  	[tilespmem:v11+s2+$0x0] =	vst.idx.msk vm2, v16  }
0x256: {  	v10 =	vld.idx.msk [tilespmem:v13+s25+$0x0], $0xffff;
	_ =	sdelay $0x4  }
0x257: {  	v10 =	vand.u32 v2, v10  }
0x258: {  	vm1 =	vne.s32 v10, $0x0  }
0x259: {  	v53 =	vsel vm1, $0x1, v0  }
0x25a: {  	(xrf0) =	vadd.scan.msk.s32 $0xffff, v53;
	_ =	sdelay $0x5  }
0x25b: {  	v11, _, _ =	vpop (xrf0)  }
0x25c: {  	v9 =	vadd.s32 v9, v11  }
0x25d: {  	s13 =	sadd.s32 $0x80, s13;
	v11 =	vadd.s32 $0xFFFFFFFF, v9  }
0x25e: {  	s16 =	sadd.s32 $0x10, s16;
	s13 =	sand.u32 $0xC00, s13;
	v54 =	vshll.u32 v11, $0x3  }
0x25f: {  	s18 =	sand.u32 $0x70, s16;
	s13 =	sadd.s32 s13, s12;
	v12 =	vand.u32 $0xFFFFFC00, v54  }
0x260: {  	v7 =	vadd.s32 $0x16, v7;
	s13 =	sadd.s32 s18, s13;
	v11 =	vand.u32 $0x7F, v11;
	v12 =	vadd.s32 v6, v12  }
0x261: {  	v55 =	vor.u32 s16, v3;
	v56 =	vld [tilespmem:s13+$0x0];
	vm2 =	veq.s32 v10, $0x0;
	v57 =	vor.u32 v11, v12  }
0x262: {  	v7 =	vbroadcast v7, $0x0;
	v9 =	vsub.s32 v55, v9;
	_ =	sdelay $0x3  }
0x263: {  	[tilespmem:v57+s0+$0x0] =	vst.idx.msk vm1, v56  }
0x264: {  	[tilespmem:v9+s2+$0x0] =	vst.idx.msk vm2, v56  }
0x265: {  	v7 =	vld.idx.msk [tilespmem:v7+s25+$0x0], $0xffff;
	_ =	sdelay $0x4  }
0x266: {  	v7 =	vand.u32 v4, v7  }
0x267: {  	vm2 =	vne.s32 v7, $0x0  }
0x268: {  	v7 =	vmpcnt.ones.xlane vm1;
	vm1 =	vmand vm2, vm0  }
0x269: {  	v58 =	vmpcnt.ones.xlane vm1  }
0x26a: {  	v8 =	vadd.s32 v8, v7  }
0x26b: {  	v59 =	vsel vm1, $0x1, v0;
	v7 =	vadd.s32 v8, v58  }
0x26c: {  	(xrf0) =	vadd.scan.msk.s32 $0xffff, v59;
	v9 =	vsub.s32 $0x80000168, v7  }
0x26d: {  	(xrf0) =	vmax.scan.msk.u32 $0xffff, v9;
	_ =	sdelay $0x4  }
0x26e: {  	v60, _, _ =	vpop (xrf0)  }
0x26f: {  	v61, _, _ =	vpop (xrf0)  }
0x270: {  	(v2sf) =	vpush v61, $0xF;
	_ =	sdelay $0x9  }
0x271: {  	v8 =	vadd.s32 v8, v60  }
0x272: {  	v9 =	vadd.s32 $0xFFFFFFFF, v8  }
0x273: {  	v62 =	vshll.u32 v9, $0x3  }
0x274: {  	v9 =	vand.u32 $0x7F, v9;
	v10 =	vand.u32 $0xFFFFFC00, v62  }
0x275: {  	v9 =	vor.u32 v10, v9  }
0x276: {  	v63 =	vld [tilespmem:s12+$0x858];
	vm2 =	vmxor vm1, vm0;
	v9 =	vor.u32 v6, v9;
	s24 =	spop (v2sf)  }
0x277: {  	v8 =	vsub.s32 v5, v8;
	p0 =	slt.u32 s24, $0x80000001  }
.Ltmp41:
0x278: {  	_ = 	snop;
	(pc) =	sbr.rel @p0 .LBB2_55-.Ltmp41, $3  }
0x279: {  	_ =	sdelay $0x1  }
0x27a: {  	s12 =	simm.s32 $0x10C00;
	[tilespmem:v9+s0+$0x0] =	vst.idx.msk vm1, v63  }
0x27b: {  	[tilespmem:v8+s12+$0x0] =	vst.idx.msk vm2, v63  }
0x27c: {  	s13 =	simm.s32 $0x0  }
0x27d: {  	v10 =	vor.u32 s13, v3  }
0x27e: {  	v9 =	vadd.s32 v7, v10  }
0x27f: {  	s24 =	simm.s32 $0x10;
	vm1 =	vlt.s32 v9, $0x167  }
0x280: {  	v8 =	vor.u32 s24, v3;
	v11 =	vnsel vm1, $0x167, v9  }
0x281: {  	v12 =	vadd.s32 v7, v8;
	v9 =	vsub.s32 $0x168, v7;
	v13 =	vshll.u32 v11, $0x3  }
0x282: {  	vm1 =	vlt.s32 v12, $0x167;
	v11 =	vand.u32 $0x7F, v11;
	v13 =	vand.u32 $0xFFFFFC00, v13  }
0x283: {  	v12 =	vnsel vm1, $0x167, v12;
	vm1 =	vlt.s32 v10, v9;
	v11 =	vor.u32 v13, v11  }
0x284: {  	v10 =	vld [tilespmem:s12+$0x0];
	v11 =	vor.u32 v6, v11;
	_ =	sdelay $0x2  }
0x285: {  	v13 =	vshll.u32 v12, $0x3  }
0x286: {  	s13 =	simm.s32 $0x20;
	v12 =	vand.u32 $0x7F, v12;
	v13 =	vand.u32 $0xFFFFFC00, v13  }
.LBB2_53:
0x287: {  	p0 =	sne.s32 s13, $0x160;
	v12 =	vor.u32 v13, v12;
	[tilespmem:v11+s0+$0x0] =	vst.idx.msk vm1, v10;
	vm1 =	vlt.s32 v8, v9;
	v8 =	vor.u32 s13, v3;
	s13 =	sadd.s32 $0x10, s13;
	s12 =	sadd.s32 $0x10, s12  }
.Ltmp42:
0x288: {  	v13 =	vadd.s32 v7, v8;
	v10 =	vld [tilespmem:s12+$0x0];
	v11 =	vor.u32 v6, v12;
	(pc) =	sbr.rel @p0 .LBB2_53-.Ltmp42, $4  }
0x289: {  	vm2 =	vlt.s32 v13, $0x167  }
0x28a: {  	v12 =	vnsel vm2, $0x167, v13  }
0x28b: {  	v13 =	vshll.u32 v12, $0x3  }
0x28c: {  	v12 =	vand.u32 $0x7F, v12;
	v13 =	vand.u32 $0xFFFFFC00, v13  }
0x28d: {  	_ =	sdelay $0x4  }
0x28e: {  	vm2 =	vlt.s32 v8, v9;
	v7 =	vor.u32 v13, v12;
	[tilespmem:v11+s0+$0x0] =	vst.idx.msk vm1, v10;
	s12 =	sadd.s32 $0x10, s12  }
0x28f: {  	v63 =	vld [tilespmem:s12+$0x0];
	v6 =	vor.u32 v6, v7  }
.Ltmp43:
0x290: {  	_ = 	snop;
	(pc) =	sbr.rel .LBB2_55-.Ltmp43, $2  }
0x291: {  	_ =	sdelay $0x2  }
0x292: {  	[tilespmem:v6+s0+$0x0] =	vst.idx.msk vm2, v63  }
.LBB2_60:
0x293: {  	_ =	sfence.sel $0x180000  }
0x294: {  	[bflag:$0x0] =	sbarrier.arrive $0xFFFF  }
0x295: {  	_ =	strace $0x90000047  }
0x296: {  	s0 =	stileid.u32;
	[bflag:$0x2] =	sbarrier.arrive $0xFFFF  }
0x297: {  	p0 =	sne.s32 s0, $0x0;
	s0 =	rddreg [dreg:$0x2]  }
0x298: {  	s0 =	sadd.s32 @!p0 $0x100000, s0  }
0x299: {  	[sflag:s0] =	ssyncadd.tile.s32 @!p0 $0x1;
	_ =	shalt  }
.Lfunc_end2:
_tile_overlayer_lowered:
.L_overlay_start_2:
0x29a: {  	(tag) =	ssettag $0x2  }
0x29b: {  	s0 =	rddreg [dreg:$0x0];
	s2 =	stileid.u32  }
0x29c: {  	s1 =	rddreg [dreg:$0x1];
	p0 =	sne.s32 s2, $0x0  }
0x29d: {  	s3 =	rddreg [dreg:$0x2];
	[bflag:$0x3] =	sbarrier.arrive $0xFFFF;
	s2 =	simm.s32 @!p0 $0x1C0B  }
0x29e: {  	[timem:s3], [sflag:s2] =	dma.local @!p0 [hbm:s0], s1  }
0x29f: {  	s0 =	simm.s32 @!p0 $0xB  }
0x2a0: {  	_ =	swait.ge @!p0 [sflag:s0], s1  }
0x2a1: {  	s1 =	ssub.s32 @!p0 $0x0, s1;
	[sflag:s0] =	ssyncset.done @!p0 $0x0  }
0x2a2: {  	[sflag:s0] =	ssyncadd.s32 @!p0 s1  }
0x2a3: {  	[bflag:$0x3] =	sbarrier.arrive $0xFFFF  }
0x2a4: {  	_ =	shalt  }

</sc_bundles>
